<compile_context>
chip_gen: v7x
topology: tpu7x:2x2x1
jax: 0.10.2.dev20260603
libtpu: 0.0.44.dev20260713+nightly
codegen_flags: <defaults>
</compile_context>

<pallas_src>
import functools

import jax
import jax.numpy as jnp
from jax import lax
from jax.experimental import pallas as pl
from jax.experimental.pallas import tpu as pltpu
from jax.experimental.pallas import tpu_sc as plsc

EMB_DIM = 64
NUM_CORES = 2
NUM_SUBCORES = 16
NUM_WORKERS = NUM_CORES * NUM_SUBCORES
CHUNK = 640
NBUF = 2


@functools.partial(jax.jit, static_argnums=(2,))
def _gather_rows(ids, table, batch):
    per_worker = batch // NUM_WORKERS
    n_chunks = per_worker // CHUNK
    assert per_worker % CHUNK == 0 and n_chunks % NBUF == 0
    mesh = plsc.VectorSubcoreMesh(
        core_axis_name="c", subcore_axis_name="s",
        num_cores=NUM_CORES, num_subcores=NUM_SUBCORES)

    @functools.partial(
        pl.kernel,
        mesh=mesh,
        compiler_params=pltpu.CompilerParams(use_tc_tiling_on_sc=False),
        out_type=jax.ShapeDtypeStruct((batch, EMB_DIM), jnp.float32),
        scratch_types=[
            pltpu.VMEM((NBUF, CHUNK), jnp.int32),
            pltpu.VMEM((NBUF, CHUNK, EMB_DIM), jnp.float32),
            pltpu.SemaphoreType.DMA((NBUF,)),
            pltpu.SemaphoreType.DMA((NBUF,)),
            pltpu.SemaphoreType.DMA((NBUF,)),
        ],
    )
    def body(ids_hbm, table_hbm, out_hbm, idx_v, rows_v, sem_i, sem_g, sem_o):
        wid = lax.axis_index("s") * NUM_CORES + lax.axis_index("c")
        base = wid * per_worker

        def ids_slice(i):
            return ids_hbm.at[pl.ds(base + i * CHUNK, CHUNK)]

        def out_slice(i):
            return out_hbm.at[pl.ds(base + i * CHUNK, CHUNK)]

        for b in range(NBUF):
            pltpu.async_copy(ids_slice(b), idx_v.at[b], sem_i.at[b])

        @pl.loop(0, n_chunks, step=NBUF)
        def _(i):
            for b in range(NBUF):
                ib = i + b

                @pl.when(ib >= NBUF)
                def _():
                    pltpu.make_async_copy(
                        rows_v.at[b], out_slice(ib - NBUF), sem_o.at[b]).wait()

                pltpu.make_async_copy(
                    ids_slice(ib), idx_v.at[b], sem_i.at[b]).wait()

                pltpu.async_copy(
                    table_hbm.at[idx_v.at[b]], rows_v.at[b], sem_g.at[b]).wait()

                @pl.when(ib + NBUF < n_chunks)
                def _():
                    pltpu.async_copy(
                        ids_slice(ib + NBUF), idx_v.at[b], sem_i.at[b])

                pltpu.async_copy(rows_v.at[b], out_slice(ib), sem_o.at[b])

        for b in range(NBUF):
            pltpu.make_async_copy(
                rows_v.at[b], out_slice(n_chunks - NBUF + b), sem_o.at[b]).wait()

    return body(ids, table)


def kernel(input, table):
    n, l = input.shape
    ids = (input.astype(jnp.int32) * 2).T.reshape(-1)
    tbl2 = jnp.pad(table, ((0, 0), (0, 64))).reshape(2 * table.shape[0], 64)
    out = _gather_rows(ids, tbl2, n * l)
    return out.reshape(l, n, EMB_DIM).transpose(1, 0, 2)

# --- scband reference (transcript-rebuilt; emitter-appended) ---
"""Pipeline reference for scband-embedding-71614284693628 (READ-ONLY COPY).

The authoritative reference and input builder live on the scoring server;
editing this copy changes nothing except your own understanding.
"""

import jax, jax.numpy as jnp
import numpy as np

VOCAB = 1000000
EMB_DIM = 64

def setup_inputs(seed: int = 0) -> dict:
    key = jax.random.key(seed)
    k1, k2 = jax.random.split(key)
    ids = jax.random.randint(k1, (4096, 200), 0, VOCAB, dtype=jnp.int64)
    # learned embedding table (the 'worker' parameter server table), uniform init like keras
    table = jax.random.uniform(k2, (VOCAB, EMB_DIM), dtype=jnp.float32, minval=-0.05, maxval=0.05)
    return {"input": ids, "table": table}

def reference(input, table):
    ids = input
    flat_ids = ids.reshape(-1)
    # tf.unique -> unique ids and inverse index mapping
    unique_ids, idx = jnp.unique(flat_ids, return_inverse=True,
                                 size=flat_ids.size, fill_value=0)
    # worker.embedding_lookup(unique_ids, ...) -> gather rows of the table
    batch_embedding_tensor = jnp.take(table, unique_ids, axis=0)
    # tf.gather(batch_embedding_tensor, idx)
    outputs = jnp.take(batch_embedding_tensor, idx.reshape(-1), axis=0)
    outputs = outputs.reshape(ids.shape + (EMB_DIM,))
    return outputs

if __name__ == "__main__":
    import jax
    _d = setup_inputs()
    print(jax.jit(kernel)(*tuple(_d.values())))

</pallas_src>

<mosaic_0001>
#map = affine_map<(d0, d1) -> (0)>
#map1 = affine_map<(d0, d1) -> (0, 0)>
module attributes {stable_mosaic.version = 14 : i64} {
  func.func @body(%arg0: i32, %arg1: i32, %arg2: memref<819200xi32, #tpu.memory_space<hbm>>, %arg3: memref<2000000x64xf32, #tpu.memory_space<hbm>>, %arg4: memref<819200x64xf32, #tpu.memory_space<hbm>>, %arg5: memref<2x640xi32, #tpu.memory_space<vmem>>, %arg6: memref<2x640x64xf32, #tpu.memory_space<vmem>>, %arg7: memref<2x!tpu.dma_semaphore, #tpu.memory_space<semaphore_mem>>, %arg8: memref<2x!tpu.dma_semaphore, #tpu.memory_space<semaphore_mem>>, %arg9: memref<2x!tpu.dma_semaphore, #tpu.memory_space<semaphore_mem>>) attributes {dimension_semantics = [#tpu.dimension_semantics<core_parallel>, #tpu.dimension_semantics<subcore_parallel>], iteration_bounds = array<i64: 2, 16>, scalar_prefetch = 0 : i64, scratch_operands = 5 : i64, tpu.core_type = #tpu.core_type<sc_vector_subcore>, window_params = [{transform_indices = #map}, {transform_indices = #map1}, {transform_indices = #map1}]} {
    %mul3A = arith.constant 2 : i32
    %mul3A_0 = arith.muli %arg1, %mul3A : i32
    %add3A = arith.addi %mul3A_0, %arg0 : i32
    %mul3A_1 = arith.constant 25600 : i32
    %mul3A_2 = arith.muli %add3A, %mul3A_1 : i32
    %add3A_3 = arith.constant 0 : i32
    %add3A_4 = arith.addi %mul3A_2, %add3A_3 : i32
    %dma_start3A = arith.constant 0 : i32
    %dma_start3A_5 = arith.constant 0 : i32
    %dma_start3A_6 = arith.constant 0 : i32
    %dma_start3A_7 = tpu.memref_slice %arg5[%dma_start3A, %dma_start3A_6] : memref<2x640xi32, #tpu.memory_space<vmem>> -> memref<1x640xi32, #tpu.memory_space<vmem>>
    %dma_start3A_8 = tpu.memref_squeeze %dma_start3A_7 : memref<1x640xi32, #tpu.memory_space<vmem>> -> memref<640xi32, #tpu.memory_space<vmem>>
    %dma_start3A_9 = tpu.memref_slice %arg2[%add3A_4] : memref<819200xi32, #tpu.memory_space<hbm>> -> memref<640xi32, #tpu.memory_space<hbm>>
    %dma_start3A_10 = tpu.memref_slice %arg7[%dma_start3A_5] : memref<2x!tpu.dma_semaphore, #tpu.memory_space<semaphore_mem>> -> memref<1x!tpu.dma_semaphore, #tpu.memory_space<semaphore_mem>>
    %dma_start3A_11 = tpu.memref_squeeze %dma_start3A_10 : memref<1x!tpu.dma_semaphore, #tpu.memory_space<semaphore_mem>> -> memref<!tpu.dma_semaphore, #tpu.memory_space<semaphore_mem>>
    %dma_start3A_12 = arith.constant 0 : i32
    %dma_start3A_13 = tpu.memref_slice %arg5[%dma_start3A, %dma_start3A_12] : memref<2x640xi32, #tpu.memory_space<vmem>> -> memref<1x640xi32, #tpu.memory_space<vmem>>
    %dma_start3A_14 = tpu.memref_squeeze %dma_start3A_13 : memref<1x640xi32, #tpu.memory_space<vmem>> -> memref<640xi32, #tpu.memory_space<vmem>>
    %dma_start3A_15 = tpu.memref_slice %arg2[%add3A_4] : memref<819200xi32, #tpu.memory_space<hbm>> -> memref<640xi32, #tpu.memory_space<hbm>>
    tpu.enqueue_dma source(%dma_start3A_15 : memref<640xi32, #tpu.memory_space<hbm>>) target(%dma_start3A_14 : memref<640xi32, #tpu.memory_space<vmem>>) target_semaphore(%dma_start3A_11 : memref<!tpu.dma_semaphore, #tpu.memory_space<semaphore_mem>>)
    %add3A_16 = arith.constant 640 : i32
    %add3A_17 = arith.addi %mul3A_2, %add3A_16 : i32
    %dma_start3A_18 = arith.constant 1 : i32
    %dma_start3A_19 = arith.constant 1 : i32
    %dma_start3A_20 = arith.constant 0 : i32
    %dma_start3A_21 = tpu.memref_slice %arg5[%dma_start3A_18, %dma_start3A_20] : memref<2x640xi32, #tpu.memory_space<vmem>> -> memref<1x640xi32, #tpu.memory_space<vmem>>
    %dma_start3A_22 = tpu.memref_squeeze %dma_start3A_21 : memref<1x640xi32, #tpu.memory_space<vmem>> -> memref<640xi32, #tpu.memory_space<vmem>>
    %dma_start3A_23 = tpu.memref_slice %arg2[%add3A_17] : memref<819200xi32, #tpu.memory_space<hbm>> -> memref<640xi32, #tpu.memory_space<hbm>>
    %dma_start3A_24 = tpu.memref_slice %arg7[%dma_start3A_19] : memref<2x!tpu.dma_semaphore, #tpu.memory_space<semaphore_mem>> -> memref<1x!tpu.dma_semaphore, #tpu.memory_space<semaphore_mem>>
    %dma_start3A_25 = tpu.memref_squeeze %dma_start3A_24 : memref<1x!tpu.dma_semaphore, #tpu.memory_space<semaphore_mem>> -> memref<!tpu.dma_semaphore, #tpu.memory_space<semaphore_mem>>
    %dma_start3A_26 = arith.constant 0 : i32
    %dma_start3A_27 = tpu.memref_slice %arg5[%dma_start3A_18, %dma_start3A_26] : memref<2x640xi32, #tpu.memory_space<vmem>> -> memref<1x640xi32, #tpu.memory_space<vmem>>
    %dma_start3A_28 = tpu.memref_squeeze %dma_start3A_27 : memref<1x640xi32, #tpu.memory_space<vmem>> -> memref<640xi32, #tpu.memory_space<vmem>>
    %dma_start3A_29 = tpu.memref_slice %arg2[%add3A_17] : memref<819200xi32, #tpu.memory_space<hbm>> -> memref<640xi32, #tpu.memory_space<hbm>>
    tpu.enqueue_dma source(%dma_start3A_29 : memref<640xi32, #tpu.memory_space<hbm>>) target(%dma_start3A_28 : memref<640xi32, #tpu.memory_space<vmem>>) target_semaphore(%dma_start3A_25 : memref<!tpu.dma_semaphore, #tpu.memory_space<semaphore_mem>>)
    %scan3A = arith.constant 0 : i32
    %scan3A_30 = arith.constant 20 : i32
    %scan3A_31 = arith.addi %scan3A, %scan3A_30 : i32
    %scan3A_32 = arith.constant 1 : i32
    scf.for %scan3A_69 = %scan3A to %scan3A_31 step %scan3A_32  : i32 {
      %mul3A_70 = arith.constant 2 : i32
      %mul3A_71 = arith.muli %scan3A_69, %mul3A_70 : i32
      %add3A_72 = arith.constant 0 : i32
      %add3A_73 = arith.addi %add3A_72, %mul3A_71 : i32
      %add3A_74 = arith.constant 0 : i32
      %add3A_75 = arith.addi %add3A_73, %add3A_74 : i32
      %ge3A = arith.constant 2 : i32
      %ge3A_76 = arith.cmpi sge, %add3A_75, %ge3A : i32
      %convert_element_type3A = arith.extui %ge3A_76 : i1 to i32
      %cond3A = arith.constant 0 : i32
      %cond3A_77 = arith.cmpi ne, %convert_element_type3A, %cond3A : i32
      scf.if %cond3A_77 {
        %sub3A = arith.constant 2 : i32
        %sub3A_226 = arith.subi %add3A_75, %sub3A : i32
        %mul3A_227 = arith.constant 640 : i32
        %mul3A_228 = arith.muli %sub3A_226, %mul3A_227 : i32
        %add3A_229 = arith.addi %mul3A_2, %mul3A_228 : i32
        %dma_wait3A_230 = arith.constant 0 : i32
        %dma_wait3A_231 = arith.constant 0 : i32
        %dma_wait3A_232 = arith.constant 0 : i32
        %dma_wait3A_233 = arith.constant 0 : i32
        %dma_wait3A_234 = tpu.memref_slice %arg6[%dma_wait3A_230, %dma_wait3A_232, %dma_wait3A_233] : memref<2x640x64xf32, #tpu.memory_space<vmem>> -> memref<1x640x64xf32, #tpu.memory_space<vmem>>
        %dma_wait3A_235 = tpu.memref_squeeze %dma_wait3A_234 : memref<1x640x64xf32, #tpu.memory_space<vmem>> -> memref<640x64xf32, #tpu.memory_space<vmem>>
        %dma_wait3A_236 = arith.constant 0 : i32
        %dma_wait3A_237 = tpu.memref_slice %arg4[%add3A_229, %dma_wait3A_236] : memref<819200x64xf32, #tpu.memory_space<hbm>> -> memref<640x64xf32, #tpu.memory_space<hbm>>
        %dma_wait3A_238 = tpu.memref_slice %arg9[%dma_wait3A_231] : memref<2x!tpu.dma_semaphore, #tpu.memory_space<semaphore_mem>> -> memref<1x!tpu.dma_semaphore, #tpu.memory_space<semaphore_mem>>
        %dma_wait3A_239 = tpu.memref_squeeze %dma_wait3A_238 : memref<1x!tpu.dma_semaphore, #tpu.memory_space<semaphore_mem>> -> memref<!tpu.dma_semaphore, #tpu.memory_space<semaphore_mem>>
        %dma_wait3A_240 = arith.constant 0 : i32
        %dma_wait3A_241 = tpu.memref_slice %arg4[%add3A_229, %dma_wait3A_240] : memref<819200x64xf32, #tpu.memory_space<hbm>> -> memref<640x64xf32, #tpu.memory_space<hbm>>
        %dma_wait3A_242 = arith.constant 0 : i32
        %dma_wait3A_243 = arith.constant 0 : i32
        %dma_wait3A_244 = tpu.memref_slice %arg6[%dma_wait3A_230, %dma_wait3A_242, %dma_wait3A_243] : memref<2x640x64xf32, #tpu.memory_space<vmem>> -> memref<1x640x64xf32, #tpu.memory_space<vmem>>
        %dma_wait3A_245 = tpu.memref_squeeze %dma_wait3A_244 : memref<1x640x64xf32, #tpu.memory_space<vmem>> -> memref<640x64xf32, #tpu.memory_space<vmem>>
        tpu.wait_dma2 semaphore(%dma_wait3A_239 : memref<!tpu.dma_semaphore, #tpu.memory_space<semaphore_mem>>) src(%dma_wait3A_245 : memref<640x64xf32, #tpu.memory_space<vmem>>) dst(%dma_wait3A_241 : memref<640x64xf32, #tpu.memory_space<hbm>>)
      } else {
      }
      %mul3A_78 = arith.constant 640 : i32
      %mul3A_79 = arith.muli %add3A_75, %mul3A_78 : i32
      %add3A_80 = arith.addi %mul3A_2, %mul3A_79 : i32
      %dma_wait3A_81 = arith.constant 0 : i32
      %dma_wait3A_82 = arith.constant 0 : i32
      %dma_wait3A_83 = arith.constant 0 : i32
      %dma_wait3A_84 = tpu.memref_slice %arg5[%dma_wait3A_81, %dma_wait3A_83] : memref<2x640xi32, #tpu.memory_space<vmem>> -> memref<1x640xi32, #tpu.memory_space<vmem>>
      %dma_wait3A_85 = tpu.memref_squeeze %dma_wait3A_84 : memref<1x640xi32, #tpu.memory_space<vmem>> -> memref<640xi32, #tpu.memory_space<vmem>>
      %dma_wait3A_86 = tpu.memref_slice %arg2[%add3A_80] : memref<819200xi32, #tpu.memory_space<hbm>> -> memref<640xi32, #tpu.memory_space<hbm>>
      %dma_wait3A_87 = tpu.memref_slice %arg7[%dma_wait3A_82] : memref<2x!tpu.dma_semaphore, #tpu.memory_space<semaphore_mem>> -> memref<1x!tpu.dma_semaphore, #tpu.memory_space<semaphore_mem>>
      %dma_wait3A_88 = tpu.memref_squeeze %dma_wait3A_87 : memref<1x!tpu.dma_semaphore, #tpu.memory_space<semaphore_mem>> -> memref<!tpu.dma_semaphore, #tpu.memory_space<semaphore_mem>>
      %dma_wait3A_89 = arith.constant 0 : i32
      %dma_wait3A_90 = tpu.memref_slice %arg5[%dma_wait3A_81, %dma_wait3A_89] : memref<2x640xi32, #tpu.memory_space<vmem>> -> memref<1x640xi32, #tpu.memory_space<vmem>>
      %dma_wait3A_91 = tpu.memref_squeeze %dma_wait3A_90 : memref<1x640xi32, #tpu.memory_space<vmem>> -> memref<640xi32, #tpu.memory_space<vmem>>
      %dma_wait3A_92 = tpu.memref_slice %arg2[%add3A_80] : memref<819200xi32, #tpu.memory_space<hbm>> -> memref<640xi32, #tpu.memory_space<hbm>>
      tpu.wait_dma2 semaphore(%dma_wait3A_88 : memref<!tpu.dma_semaphore, #tpu.memory_space<semaphore_mem>>) src(%dma_wait3A_92 : memref<640xi32, #tpu.memory_space<hbm>>) dst(%dma_wait3A_91 : memref<640xi32, #tpu.memory_space<vmem>>)
      %dma_start3A_93 = arith.constant 0 : i32
      %dma_start3A_94 = arith.constant 0 : i32
      %dma_start3A_95 = arith.constant 0 : i32
      %dma_start3A_96 = arith.constant 0 : i32
      %dma_start3A_97 = arith.constant 0 : i32
      %dma_start3A_98 = tpu.memref_slice %arg6[%dma_start3A_94, %dma_start3A_96, %dma_start3A_97] : memref<2x640x64xf32, #tpu.memory_space<vmem>> -> memref<1x640x64xf32, #tpu.memory_space<vmem>>
      %dma_start3A_99 = tpu.memref_squeeze %dma_start3A_98 : memref<1x640x64xf32, #tpu.memory_space<vmem>> -> memref<640x64xf32, #tpu.memory_space<vmem>>
      %dma_start3A_100 = arith.constant 0 : i32
      %dma_start3A_101 = tpu.memref_slice %arg5[%dma_start3A_93, %dma_start3A_100] : memref<2x640xi32, #tpu.memory_space<vmem>> -> memref<1x640xi32, #tpu.memory_space<vmem>>
      %dma_start3A_102 = tpu.memref_squeeze %dma_start3A_101 : memref<1x640xi32, #tpu.memory_space<vmem>> -> memref<640xi32, #tpu.memory_space<vmem>>
      %dma_start3A_103 = arith.constant 0 : i32
      %dma_start3A_104 = arith.constant 0 : i32
      %dma_start3A_105 = tpu.memref_slice %arg3[%dma_start3A_103, %dma_start3A_104] : memref<2000000x64xf32, #tpu.memory_space<hbm>> -> memref<2000000x64xf32, #tpu.memory_space<hbm>>
      %dma_start3A_106 = tpu.memref_slice %arg8[%dma_start3A_95] : memref<2x!tpu.dma_semaphore, #tpu.memory_space<semaphore_mem>> -> memref<1x!tpu.dma_semaphore, #tpu.memory_space<semaphore_mem>>
      %dma_start3A_107 = tpu.memref_squeeze %dma_start3A_106 : memref<1x!tpu.dma_semaphore, #tpu.memory_space<semaphore_mem>> -> memref<!tpu.dma_semaphore, #tpu.memory_space<semaphore_mem>>
      tpu.enqueue_indirect_dma source(%dma_start3A_105 : memref<2000000x64xf32, #tpu.memory_space<hbm>>) target(%dma_start3A_99 : memref<640x64xf32, #tpu.memory_space<vmem>>) offsets(%dma_start3A_102 : memref<640xi32, #tpu.memory_space<vmem>>) semaphore(%dma_start3A_107 : memref<!tpu.dma_semaphore, #tpu.memory_space<semaphore_mem>>)
      %dma_wait3A_108 = arith.constant 0 : i32
      %dma_wait3A_109 = arith.constant 0 : i32
      %dma_wait3A_110 = arith.constant 0 : i32
      %dma_wait3A_111 = arith.constant 0 : i32
      %dma_wait3A_112 = arith.constant 0 : i32
      %dma_wait3A_113 = tpu.memref_slice %arg6[%dma_wait3A_109, %dma_wait3A_111, %dma_wait3A_112] : memref<2x640x64xf32, #tpu.memory_space<vmem>> -> memref<1x640x64xf32, #tpu.memory_space<vmem>>
      %dma_wait3A_114 = tpu.memref_squeeze %dma_wait3A_113 : memref<1x640x64xf32, #tpu.memory_space<vmem>> -> memref<640x64xf32, #tpu.memory_space<vmem>>
      %dma_wait3A_115 = arith.constant 0 : i32
      %dma_wait3A_116 = tpu.memref_slice %arg5[%dma_wait3A_108, %dma_wait3A_115] : memref<2x640xi32, #tpu.memory_space<vmem>> -> memref<1x640xi32, #tpu.memory_space<vmem>>
      %dma_wait3A_117 = tpu.memref_squeeze %dma_wait3A_116 : memref<1x640xi32, #tpu.memory_space<vmem>> -> memref<640xi32, #tpu.memory_space<vmem>>
      %dma_wait3A_118 = arith.constant 0 : i32
      %dma_wait3A_119 = arith.constant 0 : i32
      %dma_wait3A_120 = tpu.memref_slice %arg3[%dma_wait3A_118, %dma_wait3A_119] : memref<2000000x64xf32, #tpu.memory_space<hbm>> -> memref<2000000x64xf32, #tpu.memory_space<hbm>>
      %dma_wait3A_121 = tpu.memref_slice %arg8[%dma_wait3A_110] : memref<2x!tpu.dma_semaphore, #tpu.memory_space<semaphore_mem>> -> memref<1x!tpu.dma_semaphore, #tpu.memory_space<semaphore_mem>>
      %dma_wait3A_122 = tpu.memref_squeeze %dma_wait3A_121 : memref<1x!tpu.dma_semaphore, #tpu.memory_space<semaphore_mem>> -> memref<!tpu.dma_semaphore, #tpu.memory_space<semaphore_mem>>
      tpu.wait_indirect_dma semaphore(%dma_wait3A_122 : memref<!tpu.dma_semaphore, #tpu.memory_space<semaphore_mem>>) src(%dma_wait3A_120 : memref<2000000x64xf32, #tpu.memory_space<hbm>>) dst(%dma_wait3A_114 : memref<640x64xf32, #tpu.memory_space<vmem>>)
      %add3A_123 = arith.constant 2 : i32
      %add3A_124 = arith.addi %add3A_75, %add3A_123 : i32
      %lt3A = arith.constant 40 : i32
      %lt3A_125 = arith.cmpi slt, %add3A_124, %lt3A : i32
      %convert_element_type3A_126 = arith.extui %lt3A_125 : i1 to i32
      %cond3A_127 = arith.constant 0 : i32
      %cond3A_128 = arith.cmpi ne, %convert_element_type3A_126, %cond3A_127 : i32
      scf.if %cond3A_128 {
        %add3A_226 = arith.constant 2 : i32
        %add3A_227 = arith.addi %add3A_75, %add3A_226 : i32
        %mul3A_228 = arith.constant 640 : i32
        %mul3A_229 = arith.muli %add3A_227, %mul3A_228 : i32
        %add3A_230 = arith.addi %mul3A_2, %mul3A_229 : i32
        %dma_start3A_231 = arith.constant 0 : i32
        %dma_start3A_232 = arith.constant 0 : i32
        %dma_start3A_233 = arith.constant 0 : i32
        %dma_start3A_234 = tpu.memref_slice %arg5[%dma_start3A_231, %dma_start3A_233] : memref<2x640xi32, #tpu.memory_space<vmem>> -> memref<1x640xi32, #tpu.memory_space<vmem>>
        %dma_start3A_235 = tpu.memref_squeeze %dma_start3A_234 : memref<1x640xi32, #tpu.memory_space<vmem>> -> memref<640xi32, #tpu.memory_space<vmem>>
        %dma_start3A_236 = tpu.memref_slice %arg2[%add3A_230] : memref<819200xi32, #tpu.memory_space<hbm>> -> memref<640xi32, #tpu.memory_space<hbm>>
        %dma_start3A_237 = tpu.memref_slice %arg7[%dma_start3A_232] : memref<2x!tpu.dma_semaphore, #tpu.memory_space<semaphore_mem>> -> memref<1x!tpu.dma_semaphore, #tpu.memory_space<semaphore_mem>>
        %dma_start3A_238 = tpu.memref_squeeze %dma_start3A_237 : memref<1x!tpu.dma_semaphore, #tpu.memory_space<semaphore_mem>> -> memref<!tpu.dma_semaphore, #tpu.memory_space<semaphore_mem>>
        %dma_start3A_239 = arith.constant 0 : i32
        %dma_start3A_240 = tpu.memref_slice %arg5[%dma_start3A_231, %dma_start3A_239] : memref<2x640xi32, #tpu.memory_space<vmem>> -> memref<1x640xi32, #tpu.memory_space<vmem>>
        %dma_start3A_241 = tpu.memref_squeeze %dma_start3A_240 : memref<1x640xi32, #tpu.memory_space<vmem>> -> memref<640xi32, #tpu.memory_space<vmem>>
        %dma_start3A_242 = tpu.memref_slice %arg2[%add3A_230] : memref<819200xi32, #tpu.memory_space<hbm>> -> memref<640xi32, #tpu.memory_space<hbm>>
        tpu.enqueue_dma source(%dma_start3A_242 : memref<640xi32, #tpu.memory_space<hbm>>) target(%dma_start3A_241 : memref<640xi32, #tpu.memory_space<vmem>>) target_semaphore(%dma_start3A_238 : memref<!tpu.dma_semaphore, #tpu.memory_space<semaphore_mem>>)
      } else {
      }
      %mul3A_129 = arith.constant 640 : i32
      %mul3A_130 = arith.muli %add3A_75, %mul3A_129 : i32
      %add3A_131 = arith.addi %mul3A_2, %mul3A_130 : i32
      %dma_start3A_132 = arith.constant 0 : i32
      %dma_start3A_133 = arith.constant 0 : i32
      %dma_start3A_134 = arith.constant 0 : i32
      %dma_start3A_135 = arith.constant 0 : i32
      %dma_start3A_136 = tpu.memref_slice %arg6[%dma_start3A_132, %dma_start3A_134, %dma_start3A_135] : memref<2x640x64xf32, #tpu.memory_space<vmem>> -> memref<1x640x64xf32, #tpu.memory_space<vmem>>
      %dma_start3A_137 = tpu.memref_squeeze %dma_start3A_136 : memref<1x640x64xf32, #tpu.memory_space<vmem>> -> memref<640x64xf32, #tpu.memory_space<vmem>>
      %dma_start3A_138 = arith.constant 0 : i32
      %dma_start3A_139 = tpu.memref_slice %arg4[%add3A_131, %dma_start3A_138] : memref<819200x64xf32, #tpu.memory_space<hbm>> -> memref<640x64xf32, #tpu.memory_space<hbm>>
      %dma_start3A_140 = tpu.memref_slice %arg9[%dma_start3A_133] : memref<2x!tpu.dma_semaphore, #tpu.memory_space<semaphore_mem>> -> memref<1x!tpu.dma_semaphore, #tpu.memory_space<semaphore_mem>>
      %dma_start3A_141 = tpu.memref_squeeze %dma_start3A_140 : memref<1x!tpu.dma_semaphore, #tpu.memory_space<semaphore_mem>> -> memref<!tpu.dma_semaphore, #tpu.memory_space<semaphore_mem>>
      %dma_start3A_142 = arith.constant 0 : i32
      %dma_start3A_143 = tpu.memref_slice %arg4[%add3A_131, %dma_start3A_142] : memref<819200x64xf32, #tpu.memory_space<hbm>> -> memref<640x64xf32, #tpu.memory_space<hbm>>
      %dma_start3A_144 = arith.constant 0 : i32
      %dma_start3A_145 = arith.constant 0 : i32
      %dma_start3A_146 = tpu.memref_slice %arg6[%dma_start3A_132, %dma_start3A_144, %dma_start3A_145] : memref<2x640x64xf32, #tpu.memory_space<vmem>> -> memref<1x640x64xf32, #tpu.memory_space<vmem>>
      %dma_start3A_147 = tpu.memref_squeeze %dma_start3A_146 : memref<1x640x64xf32, #tpu.memory_space<vmem>> -> memref<640x64xf32, #tpu.memory_space<vmem>>
      tpu.enqueue_dma source(%dma_start3A_147 : memref<640x64xf32, #tpu.memory_space<vmem>>) target(%dma_start3A_143 : memref<640x64xf32, #tpu.memory_space<hbm>>) target_semaphore(%dma_start3A_141 : memref<!tpu.dma_semaphore, #tpu.memory_space<semaphore_mem>>)
      %add3A_148 = arith.constant 1 : i32
      %add3A_149 = arith.addi %add3A_73, %add3A_148 : i32
      %ge3A_150 = arith.constant 2 : i32
      %ge3A_151 = arith.cmpi sge, %add3A_149, %ge3A_150 : i32
      %convert_element_type3A_152 = arith.extui %ge3A_151 : i1 to i32
      %cond3A_153 = arith.constant 0 : i32
      %cond3A_154 = arith.cmpi ne, %convert_element_type3A_152, %cond3A_153 : i32
      scf.if %cond3A_154 {
        %sub3A = arith.constant 2 : i32
        %sub3A_226 = arith.subi %add3A_149, %sub3A : i32
        %mul3A_227 = arith.constant 640 : i32
        %mul3A_228 = arith.muli %sub3A_226, %mul3A_227 : i32
        %add3A_229 = arith.addi %mul3A_2, %mul3A_228 : i32
        %dma_wait3A_230 = arith.constant 1 : i32
        %dma_wait3A_231 = arith.constant 1 : i32
        %dma_wait3A_232 = arith.constant 0 : i32
        %dma_wait3A_233 = arith.constant 0 : i32
        %dma_wait3A_234 = tpu.memref_slice %arg6[%dma_wait3A_230, %dma_wait3A_232, %dma_wait3A_233] : memref<2x640x64xf32, #tpu.memory_space<vmem>> -> memref<1x640x64xf32, #tpu.memory_space<vmem>>
        %dma_wait3A_235 = tpu.memref_squeeze %dma_wait3A_234 : memref<1x640x64xf32, #tpu.memory_space<vmem>> -> memref<640x64xf32, #tpu.memory_space<vmem>>
        %dma_wait3A_236 = arith.constant 0 : i32
        %dma_wait3A_237 = tpu.memref_slice %arg4[%add3A_229, %dma_wait3A_236] : memref<819200x64xf32, #tpu.memory_space<hbm>> -> memref<640x64xf32, #tpu.memory_space<hbm>>
        %dma_wait3A_238 = tpu.memref_slice %arg9[%dma_wait3A_231] : memref<2x!tpu.dma_semaphore, #tpu.memory_space<semaphore_mem>> -> memref<1x!tpu.dma_semaphore, #tpu.memory_space<semaphore_mem>>
        %dma_wait3A_239 = tpu.memref_squeeze %dma_wait3A_238 : memref<1x!tpu.dma_semaphore, #tpu.memory_space<semaphore_mem>> -> memref<!tpu.dma_semaphore, #tpu.memory_space<semaphore_mem>>
        %dma_wait3A_240 = arith.constant 0 : i32
        %dma_wait3A_241 = tpu.memref_slice %arg4[%add3A_229, %dma_wait3A_240] : memref<819200x64xf32, #tpu.memory_space<hbm>> -> memref<640x64xf32, #tpu.memory_space<hbm>>
        %dma_wait3A_242 = arith.constant 0 : i32
        %dma_wait3A_243 = arith.constant 0 : i32
        %dma_wait3A_244 = tpu.memref_slice %arg6[%dma_wait3A_230, %dma_wait3A_242, %dma_wait3A_243] : memref<2x640x64xf32, #tpu.memory_space<vmem>> -> memref<1x640x64xf32, #tpu.memory_space<vmem>>
        %dma_wait3A_245 = tpu.memref_squeeze %dma_wait3A_244 : memref<1x640x64xf32, #tpu.memory_space<vmem>> -> memref<640x64xf32, #tpu.memory_space<vmem>>
        tpu.wait_dma2 semaphore(%dma_wait3A_239 : memref<!tpu.dma_semaphore, #tpu.memory_space<semaphore_mem>>) src(%dma_wait3A_245 : memref<640x64xf32, #tpu.memory_space<vmem>>) dst(%dma_wait3A_241 : memref<640x64xf32, #tpu.memory_space<hbm>>)
      } else {
      }
      %mul3A_155 = arith.constant 640 : i32
      %mul3A_156 = arith.muli %add3A_149, %mul3A_155 : i32
      %add3A_157 = arith.addi %mul3A_2, %mul3A_156 : i32
      %dma_wait3A_158 = arith.constant 1 : i32
      %dma_wait3A_159 = arith.constant 1 : i32
      %dma_wait3A_160 = arith.constant 0 : i32
      %dma_wait3A_161 = tpu.memref_slice %arg5[%dma_wait3A_158, %dma_wait3A_160] : memref<2x640xi32, #tpu.memory_space<vmem>> -> memref<1x640xi32, #tpu.memory_space<vmem>>
      %dma_wait3A_162 = tpu.memref_squeeze %dma_wait3A_161 : memref<1x640xi32, #tpu.memory_space<vmem>> -> memref<640xi32, #tpu.memory_space<vmem>>
      %dma_wait3A_163 = tpu.memref_slice %arg2[%add3A_157] : memref<819200xi32, #tpu.memory_space<hbm>> -> memref<640xi32, #tpu.memory_space<hbm>>
      %dma_wait3A_164 = tpu.memref_slice %arg7[%dma_wait3A_159] : memref<2x!tpu.dma_semaphore, #tpu.memory_space<semaphore_mem>> -> memref<1x!tpu.dma_semaphore, #tpu.memory_space<semaphore_mem>>
      %dma_wait3A_165 = tpu.memref_squeeze %dma_wait3A_164 : memref<1x!tpu.dma_semaphore, #tpu.memory_space<semaphore_mem>> -> memref<!tpu.dma_semaphore, #tpu.memory_space<semaphore_mem>>
      %dma_wait3A_166 = arith.constant 0 : i32
      %dma_wait3A_167 = tpu.memref_slice %arg5[%dma_wait3A_158, %dma_wait3A_166] : memref<2x640xi32, #tpu.memory_space<vmem>> -> memref<1x640xi32, #tpu.memory_space<vmem>>
      %dma_wait3A_168 = tpu.memref_squeeze %dma_wait3A_167 : memref<1x640xi32, #tpu.memory_space<vmem>> -> memref<640xi32, #tpu.memory_space<vmem>>
      %dma_wait3A_169 = tpu.memref_slice %arg2[%add3A_157] : memref<819200xi32, #tpu.memory_space<hbm>> -> memref<640xi32, #tpu.memory_space<hbm>>
      tpu.wait_dma2 semaphore(%dma_wait3A_165 : memref<!tpu.dma_semaphore, #tpu.memory_space<semaphore_mem>>) src(%dma_wait3A_169 : memref<640xi32, #tpu.memory_space<hbm>>) dst(%dma_wait3A_168 : memref<640xi32, #tpu.memory_space<vmem>>)
      %dma_start3A_170 = arith.constant 1 : i32
      %dma_start3A_171 = arith.constant 1 : i32
      %dma_start3A_172 = arith.constant 1 : i32
      %dma_start3A_173 = arith.constant 0 : i32
      %dma_start3A_174 = arith.constant 0 : i32
      %dma_start3A_175 = tpu.memref_slice %arg6[%dma_start3A_171, %dma_start3A_173, %dma_start3A_174] : memref<2x640x64xf32, #tpu.memory_space<vmem>> -> memref<1x640x64xf32, #tpu.memory_space<vmem>>
      %dma_start3A_176 = tpu.memref_squeeze %dma_start3A_175 : memref<1x640x64xf32, #tpu.memory_space<vmem>> -> memref<640x64xf32, #tpu.memory_space<vmem>>
      %dma_start3A_177 = arith.constant 0 : i32
      %dma_start3A_178 = tpu.memref_slice %arg5[%dma_start3A_170, %dma_start3A_177] : memref<2x640xi32, #tpu.memory_space<vmem>> -> memref<1x640xi32, #tpu.memory_space<vmem>>
      %dma_start3A_179 = tpu.memref_squeeze %dma_start3A_178 : memref<1x640xi32, #tpu.memory_space<vmem>> -> memref<640xi32, #tpu.memory_space<vmem>>
      %dma_start3A_180 = arith.constant 0 : i32
      %dma_start3A_181 = arith.constant 0 : i32
      %dma_start3A_182 = tpu.memref_slice %arg3[%dma_start3A_180, %dma_start3A_181] : memref<2000000x64xf32, #tpu.memory_space<hbm>> -> memref<2000000x64xf32, #tpu.memory_space<hbm>>
      %dma_start3A_183 = tpu.memref_slice %arg8[%dma_start3A_172] : memref<2x!tpu.dma_semaphore, #tpu.memory_space<semaphore_mem>> -> memref<1x!tpu.dma_semaphore, #tpu.memory_space<semaphore_mem>>
      %dma_start3A_184 = tpu.memref_squeeze %dma_start3A_183 : memref<1x!tpu.dma_semaphore, #tpu.memory_space<semaphore_mem>> -> memref<!tpu.dma_semaphore, #tpu.memory_space<semaphore_mem>>
      tpu.enqueue_indirect_dma source(%dma_start3A_182 : memref<2000000x64xf32, #tpu.memory_space<hbm>>) target(%dma_start3A_176 : memref<640x64xf32, #tpu.memory_space<vmem>>) offsets(%dma_start3A_179 : memref<640xi32, #tpu.memory_space<vmem>>) semaphore(%dma_start3A_184 : memref<!tpu.dma_semaphore, #tpu.memory_space<semaphore_mem>>)
      %dma_wait3A_185 = arith.constant 1 : i32
      %dma_wait3A_186 = arith.constant 1 : i32
      %dma_wait3A_187 = arith.constant 1 : i32
      %dma_wait3A_188 = arith.constant 0 : i32
      %dma_wait3A_189 = arith.constant 0 : i32
      %dma_wait3A_190 = tpu.memref_slice %arg6[%dma_wait3A_186, %dma_wait3A_188, %dma_wait3A_189] : memref<2x640x64xf32, #tpu.memory_space<vmem>> -> memref<1x640x64xf32, #tpu.memory_space<vmem>>
      %dma_wait3A_191 = tpu.memref_squeeze %dma_wait3A_190 : memref<1x640x64xf32, #tpu.memory_space<vmem>> -> memref<640x64xf32, #tpu.memory_space<vmem>>
      %dma_wait3A_192 = arith.constant 0 : i32
      %dma_wait3A_193 = tpu.memref_slice %arg5[%dma_wait3A_185, %dma_wait3A_192] : memref<2x640xi32, #tpu.memory_space<vmem>> -> memref<1x640xi32, #tpu.memory_space<vmem>>
      %dma_wait3A_194 = tpu.memref_squeeze %dma_wait3A_193 : memref<1x640xi32, #tpu.memory_space<vmem>> -> memref<640xi32, #tpu.memory_space<vmem>>
      %dma_wait3A_195 = arith.constant 0 : i32
      %dma_wait3A_196 = arith.constant 0 : i32
      %dma_wait3A_197 = tpu.memref_slice %arg3[%dma_wait3A_195, %dma_wait3A_196] : memref<2000000x64xf32, #tpu.memory_space<hbm>> -> memref<2000000x64xf32, #tpu.memory_space<hbm>>
      %dma_wait3A_198 = tpu.memref_slice %arg8[%dma_wait3A_187] : memref<2x!tpu.dma_semaphore, #tpu.memory_space<semaphore_mem>> -> memref<1x!tpu.dma_semaphore, #tpu.memory_space<semaphore_mem>>
      %dma_wait3A_199 = tpu.memref_squeeze %dma_wait3A_198 : memref<1x!tpu.dma_semaphore, #tpu.memory_space<semaphore_mem>> -> memref<!tpu.dma_semaphore, #tpu.memory_space<semaphore_mem>>
      tpu.wait_indirect_dma semaphore(%dma_wait3A_199 : memref<!tpu.dma_semaphore, #tpu.memory_space<semaphore_mem>>) src(%dma_wait3A_197 : memref<2000000x64xf32, #tpu.memory_space<hbm>>) dst(%dma_wait3A_191 : memref<640x64xf32, #tpu.memory_space<vmem>>)
      %add3A_200 = arith.constant 2 : i32
      %add3A_201 = arith.addi %add3A_149, %add3A_200 : i32
      %lt3A_202 = arith.constant 40 : i32
      %lt3A_203 = arith.cmpi slt, %add3A_201, %lt3A_202 : i32
      %convert_element_type3A_204 = arith.extui %lt3A_203 : i1 to i32
      %cond3A_205 = arith.constant 0 : i32
      %cond3A_206 = arith.cmpi ne, %convert_element_type3A_204, %cond3A_205 : i32
      scf.if %cond3A_206 {
        %add3A_226 = arith.constant 2 : i32
        %add3A_227 = arith.addi %add3A_149, %add3A_226 : i32
        %mul3A_228 = arith.constant 640 : i32
        %mul3A_229 = arith.muli %add3A_227, %mul3A_228 : i32
        %add3A_230 = arith.addi %mul3A_2, %mul3A_229 : i32
        %dma_start3A_231 = arith.constant 1 : i32
        %dma_start3A_232 = arith.constant 1 : i32
        %dma_start3A_233 = arith.constant 0 : i32
        %dma_start3A_234 = tpu.memref_slice %arg5[%dma_start3A_231, %dma_start3A_233] : memref<2x640xi32, #tpu.memory_space<vmem>> -> memref<1x640xi32, #tpu.memory_space<vmem>>
        %dma_start3A_235 = tpu.memref_squeeze %dma_start3A_234 : memref<1x640xi32, #tpu.memory_space<vmem>> -> memref<640xi32, #tpu.memory_space<vmem>>
        %dma_start3A_236 = tpu.memref_slice %arg2[%add3A_230] : memref<819200xi32, #tpu.memory_space<hbm>> -> memref<640xi32, #tpu.memory_space<hbm>>
        %dma_start3A_237 = tpu.memref_slice %arg7[%dma_start3A_232] : memref<2x!tpu.dma_semaphore, #tpu.memory_space<semaphore_mem>> -> memref<1x!tpu.dma_semaphore, #tpu.memory_space<semaphore_mem>>
        %dma_start3A_238 = tpu.memref_squeeze %dma_start3A_237 : memref<1x!tpu.dma_semaphore, #tpu.memory_space<semaphore_mem>> -> memref<!tpu.dma_semaphore, #tpu.memory_space<semaphore_mem>>
        %dma_start3A_239 = arith.constant 0 : i32
        %dma_start3A_240 = tpu.memref_slice %arg5[%dma_start3A_231, %dma_start3A_239] : memref<2x640xi32, #tpu.memory_space<vmem>> -> memref<1x640xi32, #tpu.memory_space<vmem>>
        %dma_start3A_241 = tpu.memref_squeeze %dma_start3A_240 : memref<1x640xi32, #tpu.memory_space<vmem>> -> memref<640xi32, #tpu.memory_space<vmem>>
        %dma_start3A_242 = tpu.memref_slice %arg2[%add3A_230] : memref<819200xi32, #tpu.memory_space<hbm>> -> memref<640xi32, #tpu.memory_space<hbm>>
        tpu.enqueue_dma source(%dma_start3A_242 : memref<640xi32, #tpu.memory_space<hbm>>) target(%dma_start3A_241 : memref<640xi32, #tpu.memory_space<vmem>>) target_semaphore(%dma_start3A_238 : memref<!tpu.dma_semaphore, #tpu.memory_space<semaphore_mem>>)
      } else {
      }
      %mul3A_207 = arith.constant 640 : i32
      %mul3A_208 = arith.muli %add3A_149, %mul3A_207 : i32
      %add3A_209 = arith.addi %mul3A_2, %mul3A_208 : i32
      %dma_start3A_210 = arith.constant 1 : i32
      %dma_start3A_211 = arith.constant 1 : i32
      %dma_start3A_212 = arith.constant 0 : i32
      %dma_start3A_213 = arith.constant 0 : i32
      %dma_start3A_214 = tpu.memref_slice %arg6[%dma_start3A_210, %dma_start3A_212, %dma_start3A_213] : memref<2x640x64xf32, #tpu.memory_space<vmem>> -> memref<1x640x64xf32, #tpu.memory_space<vmem>>
      %dma_start3A_215 = tpu.memref_squeeze %dma_start3A_214 : memref<1x640x64xf32, #tpu.memory_space<vmem>> -> memref<640x64xf32, #tpu.memory_space<vmem>>
      %dma_start3A_216 = arith.constant 0 : i32
      %dma_start3A_217 = tpu.memref_slice %arg4[%add3A_209, %dma_start3A_216] : memref<819200x64xf32, #tpu.memory_space<hbm>> -> memref<640x64xf32, #tpu.memory_space<hbm>>
      %dma_start3A_218 = tpu.memref_slice %arg9[%dma_start3A_211] : memref<2x!tpu.dma_semaphore, #tpu.memory_space<semaphore_mem>> -> memref<1x!tpu.dma_semaphore, #tpu.memory_space<semaphore_mem>>
      %dma_start3A_219 = tpu.memref_squeeze %dma_start3A_218 : memref<1x!tpu.dma_semaphore, #tpu.memory_space<semaphore_mem>> -> memref<!tpu.dma_semaphore, #tpu.memory_space<semaphore_mem>>
      %dma_start3A_220 = arith.constant 0 : i32
      %dma_start3A_221 = tpu.memref_slice %arg4[%add3A_209, %dma_start3A_220] : memref<819200x64xf32, #tpu.memory_space<hbm>> -> memref<640x64xf32, #tpu.memory_space<hbm>>
      %dma_start3A_222 = arith.constant 0 : i32
      %dma_start3A_223 = arith.constant 0 : i32
      %dma_start3A_224 = tpu.memref_slice %arg6[%dma_start3A_210, %dma_start3A_222, %dma_start3A_223] : memref<2x640x64xf32, #tpu.memory_space<vmem>> -> memref<1x640x64xf32, #tpu.memory_space<vmem>>
      %dma_start3A_225 = tpu.memref_squeeze %dma_start3A_224 : memref<1x640x64xf32, #tpu.memory_space<vmem>> -> memref<640x64xf32, #tpu.memory_space<vmem>>
      tpu.enqueue_dma source(%dma_start3A_225 : memref<640x64xf32, #tpu.memory_space<vmem>>) target(%dma_start3A_221 : memref<640x64xf32, #tpu.memory_space<hbm>>) target_semaphore(%dma_start3A_219 : memref<!tpu.dma_semaphore, #tpu.memory_space<semaphore_mem>>)
    }
    %scan3A_33 = arith.constant 20 : i32
    %add3A_34 = arith.constant 24320 : i32
    %add3A_35 = arith.addi %mul3A_2, %add3A_34 : i32
    %dma_wait3A = arith.constant 0 : i32
    %dma_wait3A_36 = arith.constant 0 : i32
    %dma_wait3A_37 = arith.constant 0 : i32
    %dma_wait3A_38 = arith.constant 0 : i32
    %dma_wait3A_39 = tpu.memref_slice %arg6[%dma_wait3A, %dma_wait3A_37, %dma_wait3A_38] : memref<2x640x64xf32, #tpu.memory_space<vmem>> -> memref<1x640x64xf32, #tpu.memory_space<vmem>>
    %dma_wait3A_40 = tpu.memref_squeeze %dma_wait3A_39 : memref<1x640x64xf32, #tpu.memory_space<vmem>> -> memref<640x64xf32, #tpu.memory_space<vmem>>
    %dma_wait3A_41 = arith.constant 0 : i32
    %dma_wait3A_42 = tpu.memref_slice %arg4[%add3A_35, %dma_wait3A_41] : memref<819200x64xf32, #tpu.memory_space<hbm>> -> memref<640x64xf32, #tpu.memory_space<hbm>>
    %dma_wait3A_43 = tpu.memref_slice %arg9[%dma_wait3A_36] : memref<2x!tpu.dma_semaphore, #tpu.memory_space<semaphore_mem>> -> memref<1x!tpu.dma_semaphore, #tpu.memory_space<semaphore_mem>>
    %dma_wait3A_44 = tpu.memref_squeeze %dma_wait3A_43 : memref<1x!tpu.dma_semaphore, #tpu.memory_space<semaphore_mem>> -> memref<!tpu.dma_semaphore, #tpu.memory_space<semaphore_mem>>
    %dma_wait3A_45 = arith.constant 0 : i32
    %dma_wait3A_46 = tpu.memref_slice %arg4[%add3A_35, %dma_wait3A_45] : memref<819200x64xf32, #tpu.memory_space<hbm>> -> memref<640x64xf32, #tpu.memory_space<hbm>>
    %dma_wait3A_47 = arith.constant 0 : i32
    %dma_wait3A_48 = arith.constant 0 : i32
    %dma_wait3A_49 = tpu.memref_slice %arg6[%dma_wait3A, %dma_wait3A_47, %dma_wait3A_48] : memref<2x640x64xf32, #tpu.memory_space<vmem>> -> memref<1x640x64xf32, #tpu.memory_space<vmem>>
    %dma_wait3A_50 = tpu.memref_squeeze %dma_wait3A_49 : memref<1x640x64xf32, #tpu.memory_space<vmem>> -> memref<640x64xf32, #tpu.memory_space<vmem>>
    tpu.wait_dma2 semaphore(%dma_wait3A_44 : memref<!tpu.dma_semaphore, #tpu.memory_space<semaphore_mem>>) src(%dma_wait3A_50 : memref<640x64xf32, #tpu.memory_space<vmem>>) dst(%dma_wait3A_46 : memref<640x64xf32, #tpu.memory_space<hbm>>)
    %add3A_51 = arith.constant 24960 : i32
    %add3A_52 = arith.addi %mul3A_2, %add3A_51 : i32
    %dma_wait3A_53 = arith.constant 1 : i32
    %dma_wait3A_54 = arith.constant 1 : i32
    %dma_wait3A_55 = arith.constant 0 : i32
    %dma_wait3A_56 = arith.constant 0 : i32
    %dma_wait3A_57 = tpu.memref_slice %arg6[%dma_wait3A_53, %dma_wait3A_55, %dma_wait3A_56] : memref<2x640x64xf32, #tpu.memory_space<vmem>> -> memref<1x640x64xf32, #tpu.memory_space<vmem>>
    %dma_wait3A_58 = tpu.memref_squeeze %dma_wait3A_57 : memref<1x640x64xf32, #tpu.memory_space<vmem>> -> memref<640x64xf32, #tpu.memory_space<vmem>>
    %dma_wait3A_59 = arith.constant 0 : i32
    %dma_wait3A_60 = tpu.memref_slice %arg4[%add3A_52, %dma_wait3A_59] : memref<819200x64xf32, #tpu.memory_space<hbm>> -> memref<640x64xf32, #tpu.memory_space<hbm>>
    %dma_wait3A_61 = tpu.memref_slice %arg9[%dma_wait3A_54] : memref<2x!tpu.dma_semaphore, #tpu.memory_space<semaphore_mem>> -> memref<1x!tpu.dma_semaphore, #tpu.memory_space<semaphore_mem>>
    %dma_wait3A_62 = tpu.memref_squeeze %dma_wait3A_61 : memref<1x!tpu.dma_semaphore, #tpu.memory_space<semaphore_mem>> -> memref<!tpu.dma_semaphore, #tpu.memory_space<semaphore_mem>>
    %dma_wait3A_63 = arith.constant 0 : i32
    %dma_wait3A_64 = tpu.memref_slice %arg4[%add3A_52, %dma_wait3A_63] : memref<819200x64xf32, #tpu.memory_space<hbm>> -> memref<640x64xf32, #tpu.memory_space<hbm>>
    %dma_wait3A_65 = arith.constant 0 : i32
    %dma_wait3A_66 = arith.constant 0 : i32
    %dma_wait3A_67 = tpu.memref_slice %arg6[%dma_wait3A_53, %dma_wait3A_65, %dma_wait3A_66] : memref<2x640x64xf32, #tpu.memory_space<vmem>> -> memref<1x640x64xf32, #tpu.memory_space<vmem>>
    %dma_wait3A_68 = tpu.memref_squeeze %dma_wait3A_67 : memref<1x640x64xf32, #tpu.memory_space<vmem>> -> memref<640x64xf32, #tpu.memory_space<vmem>>
    tpu.wait_dma2 semaphore(%dma_wait3A_62 : memref<!tpu.dma_semaphore, #tpu.memory_space<semaphore_mem>>) src(%dma_wait3A_68 : memref<640x64xf32, #tpu.memory_space<vmem>>) dst(%dma_wait3A_64 : memref<640x64xf32, #tpu.memory_space<hbm>>)
    return
  }
}

</mosaic_0001>

<sc_bundles>
// kernel: _gather_rows.3.cloned.1.call-start
scs
__scs_entry_jumppad:
0x0: {  	(pc) =	sbr.rel $0x88, $3  }
0x1: {  	(tag) =	ssettag $0x0;
	lr =	simm.s32 $0x1  }
0x2: {  	[smem:$0x3F9F] =	sst lr;
	_ =	strace $0xD0000000  }
0x3: {  	_ = 	snop  }
0x4: {  	_ = 	snop  }
0x5: {  	_ = 	snop  }
0x6: {  	_ = 	snop  }
0x7: {  	_ = 	snop  }
__scs_overlays_trampoline_lowered:
0x8: {  	[smem:$0x3FAE] =	sst s0  }
0x9: {  	[smem:$0x3FAF] =	sst s1  }
0xa: {  	[smem:$0x3FB0] =	sst s2  }
0xb: {  	[smem:$0x3FB1] =	sst s3  }
0xc: {  	[smem:$0x3FB2] =	sst s4  }
0xd: {  	[smem:$0x3FB3] =	sst s5  }
0xe: {  	[smem:$0x3FB4] =	sst s6  }
0xf: {  	[smem:$0x3FB5] =	sst s7  }
0x10: {  	[smem:$0x3FB6] =	sst s8  }
0x11: {  	[smem:$0x3FB7] =	sst s9;
	s0 =	simm.s32 @!p0 $0x0  }
0x12: {  	s1 =	sld [smem:$0x3F9D];
	s0 =	simm.s32 @p0 $0x1  }
0x13: {  	[smem:$0x3FB8] =	sst s0;
	s0 =	simm.s32 @!p1 $0x0  }
0x14: {  	s2 =	sld [smem:$0x3F9C];
	s0 =	simm.s32 @p1 $0x1  }
0x15: {  	[smem:$0x3FB9] =	sst s0;
	s0 =	simm.s32 @!p2 $0x0  }
0x16: {  	s3 =	sld [smem:$0x3FDB];
	s0 =	simm.s32 @p2 $0x1  }
0x17: {  	s4 =	simm.s32 $0x1BF5;
	[smem:$0x3FBB] =	sst s0  }
0x18: {  	s0 =	sld [smem:$0x3F9E];
	_ =	swait.ge [sflag:s4], $0x0  }
0x19: {  	s7 =	sld [smem:$0x3F9F]  }
0x1a: {  	s8 =	sadd.s32 $0xFFFFE003, lr  }
0x1b: {  	s9 =	sadd.s32 $0xFFFFFEF7, lr;
	s5 =	simm.s32 $0xFFFFFFFF;
	p2 =	slt.u32 s8, $0xFFFFF086  }
0x1c: {  	p1 =	slt.u32 s9, $0xF7A;
	s5 =	simm.s32 @!p2 $0x0  }
0x1d: {  	s5 =	simm.s32 @p1 $0x1;
	p0 =	seq.s32 s7, s2  }
0x1e: {  	s7 =	smul.u32 @!p0 $0xF7A, s2;
	p2 =	seq.s32 @!p0 s5, $0x0  }
0x1f: {  	s9 =	smul.u32 $0xF7A, s1;
	s8 =	simm.s32 @!p0 $0x1BF5;
	p2 =	por !p2, p0  }
0x20: {  	[sflag:s8] =	ssyncset.s32 @!p0 $0xFFFFF086;
	s6 =	sadd.s32 @!p0 s3, s7;
	s7 =	simm.s32 @!p0 $0x108  }
0x21: {  	s3 =	sadd.s32 s3, s9;
	s6 =	sadd.s32 @!p0 $0x88, s6;
	s7 =	simm.s32 @p2 $0x1082  }
0x22: {  	[simem:s7], [sflag:s8] =	dma.local @!p0 [hbm:s6], $0xF7A  }
0x23: {  	s9 =	sor.u32 $0xD0000000, s2;
	s6 =	simm.s32 $0x108;
	_ =	swait.ge @!p0 [sflag:s8], $0x0  }
0x24: {  	s3 =	sadd.s32 $0x88, s3;
	s6 =	simm.s32 @!p1 $0x1082;
	[sflag:s4] =	ssyncset.s32 $0xFFFFF086  }
0x25: {  	[simem:s6], [sflag:s4] =	dma.local [hbm:s3], $0xF7A  }
0x26: {  	[smem:$0x3F9F] =	sst s1;
	(tag) =	ssettag s2;
	_ =	strace s9  }
0x27: {  	s1 =	sld [smem:$0x3FAF]  }
0x28: {  	s2 =	sld [smem:$0x3FB0]  }
0x29: {  	s4 =	sld [smem:$0x3FB2]  }
0x2a: {  	p0 =	seq.s32 s5, $0x0;
	s5 =	sld [smem:$0x3FB3]  }
0x2b: {  	s6 =	sld [smem:$0x3FB4]  }
0x2c: {  	s7 =	sld [smem:$0x3FB5]  }
0x2d: {  	s3 =	simm.s32 $0x108;
	s8 =	sld [smem:$0x3FB6]  }
0x2e: {  	s3 =	simm.s32 @!p0 $0x1082;
	s9 =	sld [smem:$0x3FB7]  }
0x2f: {  	lr =	sadd.s32 s0, s3;
	s0 =	sld [smem:$0x3FAE]  }
0x30: {  	s3 =	sld [smem:$0x3FB1]  }
0x31: {  	[smem:$0x3FBA] =	sst s10  }
0x32: {  	s10 =	sld [smem:$0x3FB8];
	_ =	sdelay $0x3  }
0x33: {  	p0 =	seq.s32 s10, $0x1;
	s10 =	sld [smem:$0x3FBA];
	_ =	sdelay $0x3  }
0x34: {  	[smem:$0x3FBA] =	sst s10  }
0x35: {  	s10 =	sld [smem:$0x3FB9];
	_ =	sdelay $0x3  }
0x36: {  	p1 =	seq.s32 s10, $0x1;
	s10 =	sld [smem:$0x3FBA];
	_ =	sdelay $0x3  }
0x37: {  	[smem:$0x3FBA] =	sst s10  }
0x38: {  	s10 =	sld [smem:$0x3FBB]  }
0x39: {  	_ = 	snop;
	(pc) =	sbr.ind lr, $3  }
0x3a: {  	_ = 	snop  }
0x3b: {  	_ = 	snop  }
0x3c: {  	p2 =	seq.s32 s10, $0x1;
	s10 =	sld [smem:$0x3FBA]  }
0x3d: {  	_ =	shalt  }
0x3e: {  	_ =	shalt  }
0x3f: {  	_ =	shalt  }
0x40: {  	_ =	shalt  }
0x41: {  	_ =	shalt  }
0x42: {  	_ =	shalt  }
0x43: {  	_ =	shalt  }
0x44: {  	_ =	shalt  }
0x45: {  	_ =	shalt  }
0x46: {  	_ =	shalt  }
0x47: {  	_ =	shalt  }
0x48: {  	_ =	shalt  }
0x49: {  	_ =	shalt  }
0x4a: {  	_ =	shalt  }
0x4b: {  	_ =	shalt  }
0x4c: {  	_ =	shalt  }
0x4d: {  	_ =	shalt  }
0x4e: {  	_ =	shalt  }
0x4f: {  	_ =	shalt  }
0x50: {  	_ =	shalt  }
0x51: {  	_ =	shalt  }
0x52: {  	_ =	shalt  }
0x53: {  	_ =	shalt  }
0x54: {  	_ =	shalt  }
0x55: {  	_ =	shalt  }
0x56: {  	_ =	shalt  }
0x57: {  	_ =	shalt  }
0x58: {  	_ =	shalt  }
0x59: {  	_ =	shalt  }
0x5a: {  	_ =	shalt  }
0x5b: {  	_ =	shalt  }
0x5c: {  	_ =	shalt  }
0x5d: {  	_ =	shalt  }
0x5e: {  	_ =	shalt  }
0x5f: {  	_ =	shalt  }
0x60: {  	_ =	shalt  }
0x61: {  	_ =	shalt  }
0x62: {  	_ =	shalt  }
0x63: {  	_ =	shalt  }
0x64: {  	_ =	shalt  }
0x65: {  	_ =	shalt  }
0x66: {  	_ =	shalt  }
0x67: {  	_ =	shalt  }
0x68: {  	_ =	shalt  }
0x69: {  	_ =	shalt  }
0x6a: {  	_ =	shalt  }
0x6b: {  	_ =	shalt  }
0x6c: {  	_ =	shalt  }
0x6d: {  	_ =	shalt  }
0x6e: {  	_ =	shalt  }
0x6f: {  	_ =	shalt  }
0x70: {  	_ =	shalt  }
0x71: {  	_ =	shalt  }
0x72: {  	_ =	shalt  }
0x73: {  	_ =	shalt  }
0x74: {  	_ =	shalt  }
0x75: {  	_ =	shalt  }
0x76: {  	_ =	shalt  }
0x77: {  	_ =	shalt  }
0x78: {  	_ =	shalt  }
0x79: {  	_ =	shalt  }
0x7a: {  	_ =	shalt  }
0x7b: {  	_ =	shalt  }
0x7c: {  	_ =	shalt  }
0x7d: {  	_ =	shalt  }
0x7e: {  	_ =	shalt  }
0x7f: {  	_ =	shalt  }
0x80: {  	_ =	shalt  }
0x81: {  	_ =	shalt  }
0x82: {  	_ =	shalt  }
0x83: {  	_ =	shalt  }
0x84: {  	_ =	shalt  }
0x85: {  	_ =	shalt  }
0x86: {  	_ =	shalt  }
0x87: {  	_ =	shalt  }
.Lfunc_end0:
.L_simem_size_0:
called_computation.1_lowered:
.L_overlay_start_0:
0x88: {  	s2 =	sld [smem:$0x3FD9]  }
0x89: {  	s3 =	sld [smem:$0x3FFE];
	_ =	sdelay $0x1  }
0x8a: {  	s1 =	srdreg.scid  }
0x8b: {  	s0 =	sand.u32 $0x1, s1  }
0x8c: {  	s17 =	sshll.u32 s0, $0xA;
	s2 =	sadd.s32 s3, s2  }
0x8d: {  	s2 =	sadd.s32 s2, s17  }
0x8e: {  	[smem:$0x3FC6] =	sst s2  }
0x8f: {  	_ = 	snop  }
0x90: {  	s2 =	sld [smem:$0x3FC9]  }
0x91: {  	s18 =	sld [smem:$0x3FD0];
	(tm) =	ssettm $0x1  }
0x92: {  	s4 =	sld [smem:$0x3FFB];
	_ =	sdelay $0x3  }
0x93: {  	_ =	strace s4  }
0x94: {  	s4 =	sld [smem:$0x3FFC];
	_ =	sdelay $0x3  }
0x95: {  	_ =	strace s4  }
0x96: {  	s4 =	sld [smem:$0x3FFD];
	_ =	sdelay $0x3  }
0x97: {  	_ =	strace s4  }
0x98: {  	_ =	strace $0x8FFFFFFF  }
0x99: {  	s19 =	sld [smem:$0x3FDB];
	_ =	sdelay $0x1  }
0x9a: {  	s5 =	simm.s32 $_scs_section_size  }
0x9b: {  	s6 =	simm.s32 $_size__tile_overlayer_lowered;
	s7 =	simm.s32 $_tile_overlayer_lowered  }
0x9c: {  	s22 =	simm.s32 $0x1BFF;
	s21 =	sshll.u32 s7, $0x1;
	s4 =	sadd.s32 s5, s19  }
0x9d: {  	s8 =	simm.s32 $0x0;
	s20 =	sshll.u32 s6, $0x1;
	s6 =	sadd.s32 s21, s4  }
0x9e: {  	[timem:s8], [sflag:s22] =	dma.local [hbm:s6], s20  }
0x9f: {  	_ =	swait.ge [sflag:s22], s20  }
0xa0: {  	s5 =	ssub.s32 $0x0, s20;
	[sflag:s22] =	ssyncset.done $0x0  }
0xa1: {  	[sflag:s22] =	ssyncadd.s32 s5;
	_ =	sdelay $0x1  }
0xa2: {  	s23 =	simm.s32 $0x1B8B  }
0xa3: {  	_ =	swait.ge [sflag:s23], $0x1  }
0xa4: {  	[sflag:s23] =	ssyncset.done $0x0  }
0xa5: {  	s25 =	simm.s32 $0x1B8E;
	s24 =	sld [smem:$0x3FFE];
	[sflag:s23] =	ssyncadd.s32 $0xFFFFFFFF  }
0xa6: {  	s26 =	simm.s32 $execute0_lowered;
	[smem:$0x3FD2] =	sst s25  }
0xa7: {  	s6 =	sshll.u32 s26, $0x1;
	_ =	strace $0x80000046;
	[dreg:$0x1] =	wrdreg $0xFFFFFFFF  }
0xa8: {  	s28 =	simm.s32 $_size_execute0_lowered;
	s4 =	sadd.s32 s4, s6;
	[dreg:$0x0] =	wrdreg $0x0  }
0xa9: {  	s6 =	sshll.u32 s28, $0x1;
	[dreg:$0x2] =	wrdreg s4  }
0xaa: {  	[dreg:$0x3] =	wrdreg s6  }
0xab: {  	[dreg:$0x4] =	wrdreg $0xC0  }
0xac: {  	_ =	task [dreg:s8], $0x5FFFF  }
0xad: {  	[dreg:$0x1] =	wrdreg $0xFFFFFFFF  }
0xae: {  	[dreg:$0x0] =	wrdreg $0x60  }
0xaf: {  	[dreg:$0x2] =	wrdreg s2  }
0xb0: {  	[dreg:$0x3] =	wrdreg s24  }
0xb1: {  	[dreg:$0x4] =	wrdreg s18  }
0xb2: {  	[dreg:$0x5] =	wrdreg $0x9  }
0xb3: {  	_ =	task.clear_ibuf [dreg:s8], $0x6FFFF;
	_ =	strace $0x90000046  }
0xb4: {  	s29 =	simm.s32 $0x9;
	_ =	strace $0x80000048  }
0xb5: {  	_ =	swait.ge [sflag:s29], $0x1  }
0xb6: {  	[sflag:s29] =	ssyncadd.s32 $0xFFFFFFFF  }
0xb7: {  	_ =	strace $0x90000048  }
0xb8: {  	_ =	sfence  }
0xb9: {  	s30 =	sld [smem:$0x0];
	_ =	sdelay $0x2  }
0xba: {  	s31 =	sshll.u32 s1, $0xD;
	s1 =	sshrl.u32 s1, $0x2  }
0xbb: {  	s3 =	sand.u32 $0x4000, s31;
	s1 =	sadd.s32 s1, s30  }
0xbc: {  	s0 =	sor.u32 s3, s0;
	s1 =	sshll.u32 s1, $0x11  }
0xbd: {  	s0 =	sor.u32 s1, s0  }
0xbe: {  	s0 =	sadd.s32 $0x8F2B, s0  }
0xbf: {  	[sflag:s0] =	ssyncadd.remote.s32 $0x1  }
0xc0: {  	_ =	sfence.sel $0xFFFF  }
0xc1: {  	[dreg:$0x0] =	wrdreg $0xFFFFFFFF;
	(pc) =	sbr.abs _section_cstart, $3  }
0xc2: {  	[dreg:$0x1] =	wrdreg $0xFFFFFFFF  }
0xc3: {  	_ =	task.clear_ibuf [dreg:s8], $0x2FFFF;
	_ =	strace $0x9FFFFFFF  }
0xc4: {  	(tm) =	ssettm $0x7FFFFFFF  }
0xc5: {  	_ =	shalt  }
tec
execute0_lowered:
.L_overlay_start_1:
0x0: {  	(tag) =	ssettag $0x1  }
0x1: {  	s15 =	rddreg [dreg:$0x0]  }
0x2: {  	s3 =	rddreg [dreg:$0x1];
	s1 =	srdreg.scid  }
0x3: {  	s0 =	stileid.u32;
	s14 =	rddreg [dreg:$0x2]  }
0x4: {  	s2 =	simm.s32 $0x0;
	s20 =	simm.s32 $0x3;
	s21 =	simm.s32 $0x2  }
0x5: {  	s22 =	simm.s32 $0xA500;
	s23 =	simm.s32 $0x4;
	s24 =	simm.s32 $0x5  }
0x6: {  	s25 =	simm.s32 $0x6;
	s26 =	simm.s32 $0x0;
	s10 =	smul.u32 $0xC800, s0  }
0x7: {  	s16 =	sand.u32 $0x1, s1;
	s4 =	sshll.u32 s0, $0x1;
	s18 =	smul.u32 $0x64000, s0  }
0x8: {  	[smem:$0x7FF] =	sst s2;
	s3 =	sadd.s32 $0x1E85000, s3;
	s12 =	smul.u32 $0x6400, s16  }
0x9: {  	s4 =	sor.u32 s16, s4;
	s5 =	ssub.s32 $0x2, s16;
	s16 =	smul.u32 $0x32000, s16  }
0xa: {  	_ =	strace $0x80000047;
	s6 =	smul.u32 $0x6400, s4;
	s7 =	sshrl.u32 s5, $0x1  }
0xb: {  	s9 =	smul.u32 $0x32000, s4;
	s18 =	sadd.s32 s18, s14;
	s7 =	ssub.s32 s5, s7  }
0xc: {  	s17 =	sadd.s32 s12, s10;
	s16 =	sadd.s32 s16, s18;
	s18 =	simm.s32 $0x1  }
0xd: {  	s8 =	sshrl.u32 s6, $0x3;
	s11 =	sshll.u32 s6, $0x3;
	s6 =	smax.u32 s7, $0x1  }
0xe: {  	s13 =	sadd.s32 $0xC80, s17;
	s19 =	sshll.u32 s17, $0x3;
	s17 =	sadd.s32 $0xA00, s17  }
0xf: {  	s16 =	sadd.s32 $0x2800, s16;
	s4 =	sadd.s32 s15, s8;
	s8 =	sadd.s32 s14, s9  }
0x10: {  	s11 =	sadd.s32 s11, s14;
	s13 =	sshrl.u32 s13, $0x3;
	s19 =	sadd.s32 s14, s19  }
0x11: {  	s17 =	sshrl.u32 s17, $0x3;
	s5 =	sadd.s32 $0x50, s4;
	s7 =	sadd.s32 $0xA0, s4  }
0x12: {  	s9 =	sadd.s32 $0xF0, s4;
	s10 =	sadd.s32 $0x1400, s11;
	s11 =	sadd.s32 $0x2F800, s8  }
0x13: {  	s12 =	sadd.s32 $0x30C00, s8;
	s13 =	sadd.s32 s13, s15;
	s14 =	sadd.s32 $0x3C00, s19  }
0x14: {  	s15 =	sadd.s32 s17, s15;
	s17 =	simm.s32 $0x280;
	s19 =	simm.s32 $0x500  }
.LBB2_1:
0x15: {  	[tilespmem:s2], [sflag:$0x1] =	stream.linear.gather [hbm4b:s4+s2], $0x280, $0x38;
	[tilespmem:$0x14500] =	vst v63  }
0x16: {  	_ = 	snop  }
0x17: {  	[tilespmem:s17], [sflag:$0x2] =	stream.linear.gather [hbm4b:s5+s2], $0x280, $0x38;
	[tilespmem:$0x14500] =	vst v63  }
0x18: {  	_ =	swait.ge [sflag:s18], $0x280  }
0x19: {  	[sflag:s18] =	ssyncset.done $0x0  }
0x1a: {  	[sflag:s18] =	ssyncadd.s32 $0xFFFFFD80  }
0x1b: {  	[tilespmem:s19], [sflag:$0x3] =	stream.indirect.gather [hbm4b:s3+s17], $0x40, s2, s17, $0xb8;
	[tilespmem:$0x14500] =	vst v63  }
0x1c: {  	_ =	swait.ge [sflag:s20], $0xA000  }
0x1d: {  	[sflag:s20] =	ssyncset.done $0x0  }
0x1e: {  	[sflag:s20] =	ssyncadd.s32 $0xFFFF6000  }
0x1f: {  	[tilespmem:s2], [sflag:$0x1] =	stream.linear.gather [hbm4b:s7+s2], $0x280, $0x38;
	[tilespmem:$0x14500] =	vst v63  }
0x20: {  	_ = 	snop  }
0x21: {  	[hbm4b:s8+s2] =	stream.linear.scatter [tilespmem:s19], [sflag:$0x5], $0xA000, $0x38;
	[tilespmem:$0x14500] =	vst v63  }
0x22: {  	_ =	swait.ge [sflag:s21], $0x280  }
0x23: {  	[sflag:s21] =	ssyncset.done $0x0  }
0x24: {  	[sflag:s21] =	ssyncadd.s32 $0xFFFFFD80  }
0x25: {  	[tilespmem:s22], [sflag:$0x4] =	stream.indirect.gather [hbm4b:s3+s17], $0x40, s17, s17, $0xb8;
	[tilespmem:$0x14500] =	vst v63  }
0x26: {  	_ =	swait.ge [sflag:s23], $0xA000  }
0x27: {  	[sflag:s23] =	ssyncset.done $0x0  }
0x28: {  	[sflag:s23] =	ssyncadd.s32 $0xFFFF6000  }
0x29: {  	[tilespmem:s17], [sflag:$0x2] =	stream.linear.gather [hbm4b:s9+s2], $0x280, $0x38;
	[tilespmem:$0x14500] =	vst v63  }
0x2a: {  	_ = 	snop  }
0x2b: {  	[hbm4b:s10+s2] =	stream.linear.scatter [tilespmem:s22], [sflag:$0x6], $0xA000, $0x38;
	[tilespmem:$0x14500] =	vst v63  }
0x2c: {  	_ =	swait.ge [sflag:s24], $0xA000  }
0x2d: {  	[sflag:s24] =	ssyncset.done $0x0  }
0x2e: {  	[sflag:s24] =	ssyncadd.s32 $0xFFFF6000  }
0x2f: {  	_ =	swait.ge [sflag:s18], $0x280  }
0x30: {  	[sflag:s18] =	ssyncset.done $0x0  }
0x31: {  	[sflag:s18] =	ssyncadd.s32 $0xFFFFFD80  }
0x32: {  	[tilespmem:s19], [sflag:$0x3] =	stream.indirect.gather [hbm4b:s3+s17], $0x40, s2, s17, $0xb8;
	[tilespmem:$0x14500] =	vst v63  }
0x33: {  	_ =	swait.ge [sflag:s20], $0xA000  }
0x34: {  	[sflag:s20] =	ssyncset.done $0x0  }
0x35: {  	s28 =	sadd.s32 $0x0, s15;
	[sflag:s20] =	ssyncadd.s32 $0xFFFF6000  }
0x36: {  	[tilespmem:s2], [sflag:$0x1] =	stream.linear.gather [hbm4b:s28+s2], $0x280, $0x38;
	[tilespmem:$0x14500] =	vst v63  }
0x37: {  	_ = 	snop  }
0x38: {  	[hbm4b:s16+s2] =	stream.linear.scatter [tilespmem:s19], [sflag:$0x5], $0xA000, $0x38;
	[tilespmem:$0x14500] =	vst v63  }
0x39: {  	_ =	swait.ge [sflag:s25], $0xA000  }
0x3a: {  	[sflag:s25] =	ssyncset.done $0x0  }
0x3b: {  	[sflag:s25] =	ssyncadd.s32 $0xFFFF6000  }
0x3c: {  	_ =	swait.ge [sflag:s21], $0x280  }
0x3d: {  	[sflag:s21] =	ssyncset.done $0x0  }
0x3e: {  	[sflag:s21] =	ssyncadd.s32 $0xFFFFFD80  }
0x3f: {  	[tilespmem:s22], [sflag:$0x4] =	stream.indirect.gather [hbm4b:s3+s17], $0x40, s17, s17, $0xb8;
	[tilespmem:$0x14500] =	vst v63  }
0x40: {  	_ =	swait.ge [sflag:s23], $0xA000  }
0x41: {  	[sflag:s23] =	ssyncset.done $0x0  }
0x42: {  	s29 =	sadd.s32 $0x2800, s14;
	s28 =	sadd.s32 $0x0, s13;
	[sflag:s23] =	ssyncadd.s32 $0xFFFF6000  }
0x43: {  	[tilespmem:s17], [sflag:$0x2] =	stream.linear.gather [hbm4b:s28+s2], $0x280, $0x38;
	[tilespmem:$0x14500] =	vst v63  }
0x44: {  	s30 =	sadd.s32 $0x2800, s16;
	s31 =	smov.u32 s14;
	s28 =	simm.s32 $0xA0  }
.LBB2_2:
0x45: {  	[hbm4b:s31+s2] =	stream.linear.scatter [tilespmem:s22], [sflag:$0x6], $0xA000, $0x38;
	[tilespmem:$0x14500] =	vst v63  }
0x46: {  	s1 =	smov.u32 s28;
	s31 =	smov.u32 s29  }
0x47: {  	p0 =	sne.s32 s28, $0xAA0;
	s28 =	sadd.s32 $0xA0, s28;
	_ =	swait.ge [sflag:s24], $0xA000  }
0x48: {  	[sflag:s24] =	ssyncset.done $0x0  }
0x49: {  	[sflag:s24] =	ssyncadd.s32 $0xFFFF6000  }
0x4a: {  	_ =	swait.ge [sflag:s18], $0x280  }
0x4b: {  	[sflag:s18] =	ssyncset.done $0x0  }
0x4c: {  	[sflag:s18] =	ssyncadd.s32 $0xFFFFFD80  }
0x4d: {  	[tilespmem:s19], [sflag:$0x3] =	stream.indirect.gather [hbm4b:s3+s17], $0x40, s2, s17, $0xb8;
	[tilespmem:$0x14500] =	vst v63  }
0x4e: {  	_ =	swait.ge [sflag:s20], $0xA000  }
0x4f: {  	[sflag:s20] =	ssyncset.done $0x0  }
0x50: {  	s0 =	sadd.s32 s1, s15;
	[sflag:s20] =	ssyncadd.s32 $0xFFFF6000  }
0x51: {  	[tilespmem:s2], [sflag:$0x1] =	stream.linear.gather [hbm4b:s0+s2], $0x280, $0x38;
	[tilespmem:$0x14500] =	vst v63  }
0x52: {  	_ = 	snop  }
0x53: {  	[hbm4b:s30+s2] =	stream.linear.scatter [tilespmem:s19], [sflag:$0x5], $0xA000, $0x38;
	[tilespmem:$0x14500] =	vst v63  }
0x54: {  	_ =	swait.ge [sflag:s25], $0xA000  }
0x55: {  	[sflag:s25] =	ssyncset.done $0x0  }
0x56: {  	[sflag:s25] =	ssyncadd.s32 $0xFFFF6000  }
0x57: {  	_ =	swait.ge [sflag:s21], $0x280  }
0x58: {  	[sflag:s21] =	ssyncset.done $0x0  }
0x59: {  	[sflag:s21] =	ssyncadd.s32 $0xFFFFFD80  }
0x5a: {  	[tilespmem:s22], [sflag:$0x4] =	stream.indirect.gather [hbm4b:s3+s17], $0x40, s17, s17, $0xb8;
	[tilespmem:$0x14500] =	vst v63  }
.Ltmp0:
0x5b: {  	_ =	swait.ge [sflag:s23], $0xA000;
	(pc) =	sbr.rel @p0 .LBB2_2-.Ltmp0, $4  }
0x5c: {  	[sflag:s23] =	ssyncset.done $0x0  }
0x5d: {  	s0 =	sadd.s32 s1, s13;
	[sflag:s23] =	ssyncadd.s32 $0xFFFF6000  }
0x5e: {  	[tilespmem:s17], [sflag:$0x2] =	stream.linear.gather [hbm4b:s0+s2], $0x280, $0x38;
	[tilespmem:$0x14500] =	vst v63  }
0x5f: {  	s29 =	sadd.s32 $0x2800, s29;
	s30 =	sadd.s32 $0x2800, s30  }
0x60: {  	[hbm4b:s31+s2] =	stream.linear.scatter [tilespmem:s22], [sflag:$0x6], $0xA000, $0x38;
	[tilespmem:$0x14500] =	vst v63  }
0x61: {  	_ =	swait.ge [sflag:s24], $0xA000  }
0x62: {  	[sflag:s24] =	ssyncset.done $0x0  }
0x63: {  	[sflag:s24] =	ssyncadd.s32 $0xFFFF6000  }
0x64: {  	_ =	swait.ge [sflag:s18], $0x280  }
0x65: {  	[sflag:s18] =	ssyncset.done $0x0  }
0x66: {  	[sflag:s18] =	ssyncadd.s32 $0xFFFFFD80  }
0x67: {  	[tilespmem:s19], [sflag:$0x3] =	stream.indirect.gather [hbm4b:s3+s17], $0x40, s2, s17, $0xb8;
	[tilespmem:$0x14500] =	vst v63  }
0x68: {  	_ =	swait.ge [sflag:s20], $0xA000  }
0x69: {  	[sflag:s20] =	ssyncset.done $0x0  }
0x6a: {  	[sflag:s20] =	ssyncadd.s32 $0xFFFF6000  }
0x6b: {  	[hbm4b:s11+s2] =	stream.linear.scatter [tilespmem:s19], [sflag:$0x5], $0xA000, $0x38;
	[tilespmem:$0x14500] =	vst v63  }
0x6c: {  	_ =	swait.ge [sflag:s25], $0xA000  }
0x6d: {  	[sflag:s25] =	ssyncset.done $0x0  }
0x6e: {  	[sflag:s25] =	ssyncadd.s32 $0xFFFF6000  }
0x6f: {  	_ =	swait.ge [sflag:s21], $0x280  }
0x70: {  	[sflag:s21] =	ssyncset.done $0x0  }
0x71: {  	[sflag:s21] =	ssyncadd.s32 $0xFFFFFD80  }
0x72: {  	[tilespmem:s22], [sflag:$0x4] =	stream.indirect.gather [hbm4b:s3+s17], $0x40, s17, s17, $0xb8;
	[tilespmem:$0x14500] =	vst v63  }
0x73: {  	_ =	swait.ge [sflag:s23], $0xA000  }
0x74: {  	[sflag:s23] =	ssyncset.done $0x0  }
0x75: {  	s26 =	sadd.s32 $0x1, s26;
	[sflag:s23] =	ssyncadd.s32 $0xFFFF6000  }
0x76: {  	[hbm4b:s12+s2] =	stream.linear.scatter [tilespmem:s22], [sflag:$0x6], $0xA000, $0x38;
	[tilespmem:$0x14500] =	vst v63  }
0x77: {  	p0 =	sne.s32 s26, s6;
	_ =	swait.ge [sflag:s24], $0xA000  }
.Ltmp1:
0x78: {  	[sflag:s24] =	ssyncset.done $0x0;
	(pc) =	sbr.rel @p0 .LBB2_1-.Ltmp1, $4  }
0x79: {  	[sflag:s24] =	ssyncadd.s32 $0xFFFF6000  }
0x7a: {  	_ =	swait.ge [sflag:s25], $0xA000  }
0x7b: {  	[sflag:s25] =	ssyncset.done $0x0  }
0x7c: {  	[sflag:s25] =	ssyncadd.s32 $0xFFFF6000  }
0x7d: {  	_ =	sfence.sel $0x180000  }
0x7e: {  	[bflag:$0x0] =	sbarrier.arrive $0xFFFF  }
0x7f: {  	_ =	strace $0x90000047  }
0x80: {  	s0 =	stileid.u32;
	[bflag:$0x2] =	sbarrier.arrive $0xFFFF  }
0x81: {  	p0 =	sne.s32 s0, $0x0;
	s0 =	rddreg [dreg:$0x3]  }
0x82: {  	s0 =	sadd.s32 @!p0 $0x100000, s0  }
0x83: {  	[sflag:s0] =	ssyncadd.tile.s32 @!p0 $0x1;
	_ =	shalt  }
.Lfunc_end2:
_tile_overlayer_lowered:
.L_overlay_start_2:
0x84: {  	(tag) =	ssettag $0x2  }
0x85: {  	s0 =	rddreg [dreg:$0x0];
	s2 =	stileid.u32  }
0x86: {  	s1 =	rddreg [dreg:$0x1];
	p0 =	sne.s32 s2, $0x0  }
0x87: {  	s3 =	rddreg [dreg:$0x2];
	[bflag:$0x3] =	sbarrier.arrive $0xFFFF;
	s2 =	simm.s32 @!p0 $0x1C07  }
0x88: {  	[timem:s3], [sflag:s2] =	dma.local @!p0 [hbm:s0], s1  }
0x89: {  	s0 =	simm.s32 @!p0 $0x7  }
0x8a: {  	_ =	swait.ge @!p0 [sflag:s0], s1  }
0x8b: {  	s1 =	ssub.s32 @!p0 $0x0, s1;
	[sflag:s0] =	ssyncset.done @!p0 $0x0  }
0x8c: {  	[sflag:s0] =	ssyncadd.s32 @!p0 s1  }
0x8d: {  	[bflag:$0x3] =	sbarrier.arrive $0xFFFF  }
0x8e: {  	_ =	shalt  }

// kernel: sparse-core-data-format-call.cloned.1.call-start
scs
called_computation_lowered:
.L_overlay_start_0:
0x0: {  	s2 =	sld [smem:$0x3FD9]  }
0x1: {  	s3 =	sld [smem:$0x3FFE];
	_ =	sdelay $0x1  }
0x2: {  	s1 =	srdreg.scid  }
0x3: {  	s0 =	sand.u32 $0x1, s1  }
0x4: {  	s18 =	sshll.u32 s0, $0xA;
	s2 =	sadd.s32 s3, s2  }
0x5: {  	s2 =	sadd.s32 s2, s18  }
0x6: {  	[smem:$0x3FC6] =	sst s2  }
0x7: {  	_ = 	snop  }
0x8: {  	s2 =	sld [smem:$0x3FD0];
	(tm) =	ssettm $0x1  }
0x9: {  	s19 =	sld [smem:$0x3FFB];
	_ =	sdelay $0x3  }
0xa: {  	_ =	strace s19  }
0xb: {  	s3 =	sld [smem:$0x3FFC];
	_ =	sdelay $0x3  }
0xc: {  	_ =	strace s3  }
0xd: {  	s3 =	sld [smem:$0x3FFD];
	_ =	sdelay $0x3  }
0xe: {  	_ =	strace s3  }
0xf: {  	_ =	strace $0x8FFFFFFF  }
0x10: {  	s20 =	sld [smem:$0x3FDB];
	_ =	sdelay $0x1  }
0x11: {  	s4 =	simm.s32 $_scs_section_size  }
0x12: {  	s5 =	simm.s32 $_size__tile_overlayer_lowered;
	s6 =	simm.s32 $_tile_overlayer_lowered  }
0x13: {  	s23 =	simm.s32 $0x1BFF;
	s22 =	sshll.u32 s6, $0x1;
	s3 =	sadd.s32 s4, s20  }
0x14: {  	s7 =	simm.s32 $0x0;
	s21 =	sshll.u32 s5, $0x1;
	s5 =	sadd.s32 s22, s3  }
0x15: {  	[timem:s7], [sflag:s23] =	dma.local [hbm:s5], s21  }
0x16: {  	_ =	swait.ge [sflag:s23], s21  }
0x17: {  	s4 =	ssub.s32 $0x0, s21;
	[sflag:s23] =	ssyncset.done $0x0  }
0x18: {  	[sflag:s23] =	ssyncadd.s32 s4;
	_ =	sdelay $0x1  }
0x19: {  	s24 =	simm.s32 $0x1B8B  }
0x1a: {  	_ =	swait.ge [sflag:s24], $0x1  }
0x1b: {  	[sflag:s24] =	ssyncset.done $0x0  }
0x1c: {  	s26 =	simm.s32 $0x1B8E;
	s25 =	sld [smem:$0x3FFE];
	[sflag:s24] =	ssyncadd.s32 $0xFFFFFFFF  }
0x1d: {  	s27 =	simm.s32 $execute0_lowered;
	[smem:$0x3FD2] =	sst s26  }
0x1e: {  	s5 =	sshll.u32 s27, $0x1;
	_ =	strace $0x80000049;
	[dreg:$0x1] =	wrdreg $0xFFFFFFFF  }
0x1f: {  	s28 =	simm.s32 $_size_execute0_lowered;
	s3 =	sadd.s32 s3, s5;
	[dreg:$0x0] =	wrdreg $0x0  }
0x20: {  	s5 =	sshll.u32 s28, $0x1;
	[dreg:$0x2] =	wrdreg s3  }
0x21: {  	[dreg:$0x3] =	wrdreg s5  }
0x22: {  	[dreg:$0x4] =	wrdreg $0xC0  }
0x23: {  	_ =	task [dreg:s7], $0x5FFFF  }
0x24: {  	[dreg:$0x1] =	wrdreg $0xFFFFFFFF  }
0x25: {  	[dreg:$0x0] =	wrdreg $0x60  }
0x26: {  	[dreg:$0x2] =	wrdreg s25  }
0x27: {  	[dreg:$0x3] =	wrdreg s2  }
0x28: {  	[dreg:$0x4] =	wrdreg $0x9  }
0x29: {  	_ =	task.clear_ibuf [dreg:s7], $0x5FFFF;
	_ =	strace $0x90000049  }
0x2a: {  	s29 =	simm.s32 $0x9;
	_ =	strace $0x8000004B  }
0x2b: {  	_ =	swait.ge [sflag:s29], $0x1  }
0x2c: {  	[sflag:s29] =	ssyncadd.s32 $0xFFFFFFFF  }
0x2d: {  	_ =	strace $0x9000004B  }
0x2e: {  	_ =	sfence  }
0x2f: {  	s30 =	sld [smem:$0x0];
	_ =	sdelay $0x2  }
0x30: {  	s31 =	sshll.u32 s1, $0xD;
	s1 =	sshrl.u32 s1, $0x2  }
0x31: {  	s3 =	sand.u32 $0x4000, s31;
	s1 =	sadd.s32 s1, s30  }
0x32: {  	s0 =	sor.u32 s3, s0;
	s1 =	sshll.u32 s1, $0x11  }
0x33: {  	s0 =	sor.u32 s1, s0  }
0x34: {  	s0 =	sadd.s32 $0x8F2B, s0  }
0x35: {  	[sflag:s0] =	ssyncadd.remote.s32 $0x1  }
0x36: {  	_ =	sfence.sel $0xFFFF  }
0x37: {  	[dreg:$0x0] =	wrdreg $0xFFFFFFFF;
	(pc) =	sbr.abs _section_cstart, $3  }
0x38: {  	[dreg:$0x1] =	wrdreg $0xFFFFFFFF  }
0x39: {  	_ =	task.clear_ibuf [dreg:s7], $0x2FFFF;
	_ =	strace $0x9FFFFFFF  }
0x3a: {  	(tm) =	ssettm $0x7FFFFFFF  }
0x3b: {  	_ =	shalt  }
tec
execute0_lowered:
.L_overlay_start_1:
0x0: {  	(tag) =	ssettag $0x1  }
0x1: {  	s0 =	srdreg.scid  }
0x2: {  	s1 =	sshll.u32 s0, $0x4  }
0x3: {  	s4 =	rddreg [dreg:$0x0];
	s0 =	stileid.u32;
	s1 =	sand.u32 $0x10, s1  }
0x4: {  	s2 =	rddreg [dreg:$0x1];
	s7 =	simm.s32 $0x1;
	s1 =	sor.u32 s0, s1  }
0x5: {  	s8 =	simm.s32 $0x2;
	s11 =	simm.s32 $0x0;
	s3 =	sshll.u32 s1, $0x7  }
0x6: {  	s10 =	simm.s32 $0x0;
	s4 =	sadd.s32 $0x800, s4;
	s6 =	ssub.s32 $0xC8000, s3  }
.Ltmp0:
0x7: {  	s1 =	rddreg [dreg:$0x2];
	s5 =	sand.u32 $0xF80, s6;
	(pc) =	sbr.rel .LBB1_1-.Ltmp0, $4  }
0x8: {  	_ =	strace $0x8000004A;
	s9 =	smov.u32 s3;
	p0 =	sne.s32 s5, $0x0  }
0x9: {  	s6 =	sshrl.u32 s6, $0xC;
	s5 =	simm.s32 $0x1;
	s7 =	simm.s32 @!p0 $0x0  }
0xa: {  	[sflag:s5] =	ssyncpa.u1 $0x0;
	p0 =	por $0x0, $0x0;
	s6 =	sadd.s32 s7, s6  }
0xb: {  	[sflag:s8] =	ssyncpa.u1 $0x0;
	s8 =	simm.s32 $0x640000;
	s7 =	sadd.s32 $0x1, s6  }
.LBB1_4:
0xc: {  	s14 =	sshll.u32 s11, $0x3  }
0xd: {  	s30 =	sand.u32 $0x7F, s11;
	s15 =	sand.u32 $0xFFFFFC00, s14  }
0xe: {  	s11 =	sor.u32 s30, s15  }
0xf: {  	s15 =	smulhi.u32 $0x51EB851F, s11  }
0x10: {  	s14 =	smulhi.u32 $0x51EB851F, s14  }
0x11: {  	s15 =	sshrl.u32 s15, $0x12  }
0x12: {  	s14 =	sshrl.u32 s14, $0x12;
	s15 =	smul.u32 $0xC8000, s15  }
0x13: {  	s14 =	sand.u32 $0x3F, s14  }
0x14: {  	s14 =	smul.u32 $0x19000, s14;
	s11 =	ssub.s32 s11, s15  }
0x15: {  	[tilespmem:s13+$0x810 ss:$0x81] =	vst.msk $0xffff, v2;
	s15 =	sand.u32 $0x7, s11  }
0x16: {  	[tilespmem:s13+$0x1020 ss:$0x81] =	vst.msk $0xffff, v0;
	s14 =	sadd.s32 s2, s14;
	s11 =	sshrl.u32 s11, $0x3;
	s15 =	sshll.u32 s15, $0x12  }
0x17: {  	[tilespmem:s13+$0x0 ss:$0x81] =	vst.msk $0xffff, v1;
	s11 =	sadd.s32 s11, s14;
	s31 =	sor.u32 $0x400, s15  }
0x18: {  	[hbm4b:s11+s31] =	stream.strided.scatter [tilespmem:s12], [sflag:$0x2], $0x2000, s8, s31, $0x20;
	[tilespmem:$0x8080] =	vst v63  }
.LBB1_5:
0x19: {  	s13 =	sadd.s32 $0x1000, s9  }
0x1a: {  	p2 =	sgt.s32 s13, $0xC7FFF  }
0x1b: {  	s13 =	smov.u32 @p2 s3;
	p2 =	sne.s32 s10, s7  }
.Ltmp1:
0x1c: {  	p1 =	slt.u32 s10, $0x2;
	(pc) =	sbr.rel @!p2 .LBB1_6-.Ltmp1, $4  }
0x1d: {  	s12 =	simm.s32 @!p1 $0x2  }
0x1e: {  	s14 =	sadd.s32 $0x1, s10;
	_ =	swait.ge @!p1 [sflag:s12], $0x2000  }
0x1f: {  	s11 =	smov.u32 s9;
	p0 =	por !p0, !p0;
	[sflag:s12] =	ssyncset.done @!p1 $0x0  }
0x20: {  	s10 =	smov.u32 s14;
	s9 =	smov.u32 s13;
	[sflag:s12] =	ssyncadd.s32 @!p1 $0xFFFFE000  }
.LBB1_1:
0x21: {  	p1 =	sge.u32 s10, s6  }
0x22: {  	s12 =	sand.u32 @!p1 $0x1FFFFFF, s9  }
0x23: {  	s13 =	smulhi.u32 @!p1 $0x147AE15, s12;
	_ =	sdelay $0x1  }
0x24: {  	s13 =	sshrl.u32 @!p1 s13, $0xC  }
0x25: {  	s13 =	smul.u32 @!p1 $0xC8000, s13;
	_ =	sdelay $0x1  }
0x26: {  	s31 =	sadd.s32 $0xFFFFFFFF, s10;
	s14 =	sxor.u32 @!p1 $0xFFFFFFFF, s10;
	s12 =	ssub.s32 @!p1 s12, s13  }
0x27: {  	s15 =	simm.s32 @!p1 $0x80;
	s14 =	sshll.u32 @!p1 s14, $0xD;
	s12 =	sshll.u32 @!p1 s12, $0x4  }
0x28: {  	s13 =	sand.u32 @!p1 $0x2000, s14;
	s14 =	simm.s32 @!p1 $0x40;
	s12 =	sadd.s32 @!p1 s4, s12  }
0x29: {  	[tilespmem:s13], [sflag:$0x1] =	stream.strided.gather @!p1 [hbm4b:s12+s14], $0x2000, s15, s14, $0x38;
	[tilespmem:$0x8080] =	vst v63  }
0x2a: {  	p1 =	sge.u32 s31, s6  }
.Ltmp2:
0x2b: {  	_ = 	snop;
	(pc) =	sbr.rel @p1 .LBB1_5-.Ltmp2, $1  }
0x2c: {  	_ =	sdelay $0x3  }
0x2d: {  	s12 =	simm.s32 $0x1  }
0x2e: {  	_ =	swait.ge [sflag:s5], $0x2000;
	s12 =	simm.s32 @!p0 $0x0  }
0x2f: {  	[sflag:s5] =	ssyncset.done $0x0;
	s13 =	sshll.u32 s12, $0xD  }
0x30: {  	[sflag:s5] =	ssyncadd.s32 $0xFFFFE000;
	s16 =	sor.u32 $0x20, s13  }
0x31: {  	s12 =	smul.u32 $0x8100, s12;
	v3 =	vld [tilespmem:s16+$0x10]  }
0x32: {  	s30 =	sand.u32 $0x1, s10;
	v2 =	vld [tilespmem:s16+$0xFFFFFFF0]  }
0x33: {  	s13 =	smul.u32 $0x8100, s30;
	s12 =	sshrl.u32 s12, $0x2;
	v0 =	vld [tilespmem:s16+$0x0]  }
0x34: {  	v1 =	vld [tilespmem:s16+$0xFFFFFFE0];
	s14 =	sor.u32 $0x4000, s12  }
0x35: {  	s31 =	sshrl.u32 s13, $0x2;
	s13 =	sadd.s32 $0x0, s14  }
0x36: {  	s15 =	simm.s32 $0x4;
	s16 =	sadd.s32 $0x40, s16;
	s12 =	sor.u32 $0x4000, s31;
	[tilespmem:s13+$0x1830 ss:$0x81] =	vst.msk $0xffff, v3  }
.LBB1_3:
0x37: {  	v3 =	vld [tilespmem:s16+$0x10];
	p1 =	sne.s32 s15, $0x1FC;
	[tilespmem:s13+$0x810 ss:$0x81] =	vst.msk $0xffff, v2;
	s17 =	smov.u32 s15;
	s15 =	sadd.s32 $0x4, s15  }
.Ltmp3:
0x38: {  	v2 =	vld [tilespmem:s16+$0xFFFFFFF0];
	[tilespmem:s13+$0x1020 ss:$0x81] =	vst.msk $0xffff, v0;
	(pc) =	sbr.rel @p1 .LBB1_3-.Ltmp3, $4  }
0x39: {  	v0 =	vld [tilespmem:s16+$0x0];
	[tilespmem:s13+$0x0 ss:$0x81] =	vst.msk $0xffff, v1  }
0x3a: {  	s13 =	sshra.s32 s17, $0x2;
	v1 =	vld [tilespmem:s16+$0xFFFFFFE0]  }
0x3b: {  	s13 =	sadd.s32 s13, s14  }
0x3c: {  	s16 =	sadd.s32 $0x40, s16;
	[tilespmem:s13+$0x1830 ss:$0x81] =	vst.msk $0xffff, v3  }
.Ltmp4:
0x3d: {  	_ = 	snop;
	(pc) =	sbr.rel .LBB1_4-.Ltmp4, $1  }
0x3e: {  	_ =	sdelay $0x3  }
.LBB1_6:
0x3f: {  	_ =	sfence.sel $0x180000  }
0x40: {  	s2 =	simm.s32 $0x1;
	[bflag:$0x0] =	sbarrier.arrive $0xFFFF  }
0x41: {  	s31 =	simm.s32 $0x2;
	[sflag:s2] =	ssyncpa.u1 $0x1  }
0x42: {  	[sflag:s31] =	ssyncpa.u1 $0x1  }
0x43: {  	p0 =	sne.s32 s0, $0x0;
	_ =	strace $0x9000004A  }
0x44: {  	s0 =	sadd.s32 @!p0 $0x100000, s1;
	[bflag:$0x2] =	sbarrier.arrive $0xFFFF  }
0x45: {  	[sflag:s0] =	ssyncadd.tile.s32 @!p0 $0x1;
	_ =	shalt  }
.Lfunc_end1:
_tile_overlayer_lowered:
.L_overlay_start_2:
0x46: {  	(tag) =	ssettag $0x2  }
0x47: {  	s0 =	rddreg [dreg:$0x0];
	s2 =	stileid.u32  }
0x48: {  	s1 =	rddreg [dreg:$0x1];
	p0 =	sne.s32 s2, $0x0  }
0x49: {  	s3 =	rddreg [dreg:$0x2];
	[bflag:$0x3] =	sbarrier.arrive $0xFFFF;
	s2 =	simm.s32 @!p0 $0x1C01  }
0x4a: {  	[timem:s3], [sflag:s2] =	dma.local @!p0 [hbm:s0], s1  }
0x4b: {  	s0 =	simm.s32 @!p0 $0x1  }
0x4c: {  	_ =	swait.ge @!p0 [sflag:s0], s1  }
0x4d: {  	s1 =	ssub.s32 @!p0 $0x0, s1;
	[sflag:s0] =	ssyncset.done @!p0 $0x0  }
0x4e: {  	[sflag:s0] =	ssyncadd.s32 @!p0 s1  }
0x4f: {  	[bflag:$0x3] =	sbarrier.arrive $0xFFFF  }
0x50: {  	_ =	shalt  }

</sc_bundles>
